<compile_context>
chip_gen: v7x
topology: tpu7x:2x2x1
jax: 0.10.2.dev20260603
libtpu: 0.0.44.dev20260713+nightly
codegen_flags: <defaults>
</compile_context>

<pallas_src>
import functools

import jax
import jax.numpy as jnp
from jax import lax
from jax.experimental import pallas as pl
from jax.experimental.pallas import tpu as pltpu
from jax.experimental.pallas import tpu_sc as plsc

T = 4096
D = 1024
ED = 128
E = 8
H = 1024
TBLK = 512
NTB = T // TBLK
BLK = 512
NBLK = 15
CAP = NBLK * BLK
NW = 32
TPW = T // NW
CH = 32
NCH = TPW // CH
_HI = jax.lax.Precision.HIGHEST


def _router_body(e_ref, x_ref, w_ref,
                 pos_ref, gate_ref, be_ref, l1_ref, imp_ref,
                 P_s, O_s, R_s, c_s):
    i = pl.program_id(0)
    rin = jnp.concatenate([e_ref[...], x_ref[...]], axis=1)
    logits = jax.lax.dot(rin, w_ref[...])
    m = jnp.max(logits, axis=1, keepdims=True)
    ez = jnp.exp(logits - m)
    p = ez / jnp.sum(ez, axis=1, keepdims=True)
    P_s[pl.ds(i * TBLK, TBLK), :] = p
    pm = jnp.max(p, axis=1, keepdims=True)
    lane = lax.broadcasted_iota(jnp.int32, (TBLK, E), 1)
    first = jnp.min(jnp.where(p >= pm, lane, E), axis=1, keepdims=True)
    O = (lane == first).astype(jnp.float32)
    O_s[pl.ds(i * TBLK, TBLK), :] = O

    @pl.when(i == 0)
    def _():
        c_s[...] = jnp.zeros_like(c_s)

    r_i = lax.broadcasted_iota(jnp.int32, (TBLK, TBLK), 0)
    c_i = lax.broadcasted_iota(jnp.int32, (TBLK, TBLK), 1)
    tri = (c_i < r_i).astype(jnp.float32)
    prefix = jax.lax.dot(tri, O)
    R_s[pl.ds(i * TBLK, TBLK), :] = c_s[0:1, :] + prefix
    c_s[0:1, :] = c_s[0:1, :] + jnp.sum(O, axis=0, keepdims=True)

    @pl.when(i == NTB - 1)
    def _():
        P = P_s[...]
        Of = O_s[...]
        counts = c_s[0:1, :]
        padded = jnp.ceil(counts / BLK) * BLK
        ut = (lax.broadcasted_iota(jnp.int32, (E, E), 0)
              < lax.broadcasted_iota(jnp.int32, (E, E), 1)).astype(jnp.float32)
        off = jax.lax.dot(padded, ut, precision=_HI)
        pos_col = jnp.sum((R_s[...] + off) * Of, axis=1, keepdims=True)
        gate_col = jnp.max(P, axis=1, keepdims=True)
        t_r = lax.broadcasted_iota(jnp.int32, (NW, T), 1)
        i_r = lax.broadcasted_iota(jnp.int32, (NW, T), 0)
        m1 = (t_r // TPW == i_r).astype(jnp.float32)
        t_c = lax.broadcasted_iota(jnp.int32, (T, TPW), 0)
        l_c = lax.broadcasted_iota(jnp.int32, (T, TPW), 1)
        m2 = (t_c % TPW == l_c).astype(jnp.float32)
        pos2d = jax.lax.dot(m1, pos_col * m2, precision=_HI)
        pos_ref[...] = (pos2d + 0.5).astype(jnp.int32)
        gate_ref[...] = jnp.broadcast_to(gate_col, (T, 128))
        i8 = (lax.broadcasted_iota(jnp.int32, (E, E), 0)
              == lax.broadcasted_iota(jnp.int32, (E, E), 1)).astype(jnp.float32)
        off_col = jax.lax.dot_general(i8, off, (((1,), (1,)), ((), ())),
                                      precision=_HI)
        offb = jnp.broadcast_to(off_col, (E, 128))
        jblk = lax.broadcasted_iota(jnp.int32, (E, 128), 1).astype(jnp.float32) * BLK
        ind = (offb <= jblk).astype(jnp.float32)
        be = jnp.sum(ind, axis=0, keepdims=True) - 1.0
        nused = jnp.sum(padded) / BLK
        lane128 = lax.broadcasted_iota(jnp.int32, (1, 128), 1)
        be = jnp.where(lane128 == NBLK, nused, be)
        be_ref[...] = jnp.broadcast_to(be, (E, 128)).astype(jnp.int32)
        l1_ref[...] = jnp.reshape(jnp.sum(P) / T, (1, 1))
        imp = jnp.sum(P, axis=0, keepdims=True)
        mu = jnp.sum(imp) / E
        var = jnp.sum((imp - mu) ** 2) / E
        imp_ref[...] = jnp.reshape(var / (mu * mu + 1e-10), (1, 1))


_router_call = pl.pallas_call(
    _router_body,
    grid=(NTB,),
    in_specs=[
        pl.BlockSpec((TBLK, ED), lambda i: (i, 0)),
        pl.BlockSpec((TBLK, D), lambda i: (i, 0)),
        pl.BlockSpec((ED + D, E), lambda i: (0, 0)),
    ],
    out_specs=[
        pl.BlockSpec((NW, TPW), lambda i: (0, 0)),
        pl.BlockSpec((T, 128), lambda i: (0, 0)),
        pl.BlockSpec((E, 128), lambda i: (0, 0)),
        pl.BlockSpec((1, 1), lambda i: (0, 0)),
        pl.BlockSpec((1, 1), lambda i: (0, 0)),
    ],
    out_shape=[
        jax.ShapeDtypeStruct((NW, TPW), jnp.int32),
        jax.ShapeDtypeStruct((T, 128), jnp.float32),
        jax.ShapeDtypeStruct((E, 128), jnp.int32),
        jax.ShapeDtypeStruct((1, 1), jnp.float32),
        jax.ShapeDtypeStruct((1, 1), jnp.float32),
    ],
    scratch_shapes=[
        pltpu.VMEM((T, E), jnp.float32),
        pltpu.VMEM((T, E), jnp.float32),
        pltpu.VMEM((T, E), jnp.float32),
        pltpu.VMEM((8, E), jnp.float32),
    ],
)


@functools.cache
def _sc_kernels():
    mesh = plsc.VectorSubcoreMesh(core_axis_name="c", subcore_axis_name="s")

    @functools.partial(
        pl.kernel,
        out_type=(jax.ShapeDtypeStruct((CAP, D), jnp.float32),
                  jax.ShapeDtypeStruct((CAP, 128), jnp.float32)),
        mesh=mesh,
        scratch_types=[
            pltpu.VMEM((NCH, CH), jnp.int32),
            pltpu.VMEM((TPW,), jnp.int32),
            pltpu.VMEM((CH, D), jnp.float32),
            pltpu.VMEM((CH, D), jnp.float32),
            pltpu.VMEM((TPW, 128), jnp.float32),
            pltpu.SemaphoreType.DMA,
            pltpu.SemaphoreType.DMA,
            pltpu.SemaphoreType.DMA,
            pltpu.SemaphoreType.DMA,
            pltpu.SemaphoreType.DMA,
        ],
    )
    def _sc_dispatch(pos_hbm, posf_hbm, x_hbm, gate_hbm, xs_hbm, gs_hbm,
                     pos_v, posf_v, xv0, xv1, gv,
                     lsem0, lsem1, ssem0, ssem1, gsem):
        wid = lax.axis_index("s") * 2 + lax.axis_index("c")
        base = wid * TPW
        pltpu.sync_copy(pos_hbm.at[wid], pos_v)
        pltpu.sync_copy(posf_hbm.at[pl.ds(base, TPW)], posf_v)
        pltpu.sync_copy(gate_hbm.at[pl.ds(base, TPW)], gv)
        gate_st = pltpu.async_copy(gv, gs_hbm.at[posf_v], gsem)
        bufs = (xv0, xv1)
        lsems = (lsem0, lsem1)
        ssems = (ssem0, ssem1)
        loads = {0: pltpu.async_copy(x_hbm.at[pl.ds(base, CH)], xv0, lsem0)}
        stores = {}
        for c in range(NCH):
            b = c % 2
            if c + 1 < NCH:
                if c - 1 >= 0:
                    stores[c - 1].wait()
                loads[c + 1] = pltpu.async_copy(
                    x_hbm.at[pl.ds(base + (c + 1) * CH, CH)],
                    bufs[1 - b], lsems[1 - b])
            loads[c].wait()
            stores[c] = pltpu.async_copy(bufs[b], xs_hbm.at[pos_v.at[c]], ssems[b])
        stores[NCH - 2].wait()
        stores[NCH - 1].wait()
        gate_st.wait()

    @functools.partial(
        pl.kernel,
        out_type=jax.ShapeDtypeStruct((T, D), jnp.float32),
        mesh=mesh,
        scratch_types=[
            pltpu.VMEM((NCH, CH), jnp.int32),
            pltpu.VMEM((CH, D), jnp.float32),
            pltpu.VMEM((CH, D), jnp.float32),
            pltpu.SemaphoreType.DMA,
            pltpu.SemaphoreType.DMA,
            pltpu.SemaphoreType.DMA,
            pltpu.SemaphoreType.DMA,
        ],
    )
    def _sc_combine(pos_hbm, ys_hbm, out_hbm, pos_v, yv0, yv1,
                    lsem0, lsem1, ssem0, ssem1):
        wid = lax.axis_index("s") * 2 + lax.axis_index("c")
        base = wid * TPW
        pltpu.sync_copy(pos_hbm.at[wid], pos_v)
        bufs = (yv0, yv1)
        lsems = (lsem0, lsem1)
        ssems = (ssem0, ssem1)
        loads = {0: pltpu.async_copy(ys_hbm.at[pos_v.at[0]], yv0, lsem0)}
        stores = {}
        for c in range(NCH):
            b = c % 2
            if c + 1 < NCH:
                if c - 1 >= 0:
                    stores[c - 1].wait()
                loads[c + 1] = pltpu.async_copy(
                    ys_hbm.at[pos_v.at[c + 1]], bufs[1 - b], lsems[1 - b])
            loads[c].wait()
            stores[c] = pltpu.async_copy(
                bufs[b], out_hbm.at[pl.ds(base + c * CH, CH)], ssems[b])
        stores[NCH - 2].wait()
        stores[NCH - 1].wait()

    return _sc_dispatch, _sc_combine


def _ffn_body(be_ref, xs_ref, gs_ref, w1_ref, b1_ref, w2_ref, b2_ref, ys_ref):
    i = pl.program_id(0)

    @pl.when(i < be_ref[NBLK])
    def _():
        xb = xs_ref[...]
        h = jnp.maximum(jax.lax.dot(xb, w1_ref[0]) + b1_ref[0], 0.0)
        y = jax.lax.dot(h, w2_ref[0]) + b2_ref[0]
        ys_ref[...] = y * gs_ref[:, 0:1]


def _data_idx(i, be):
    return jnp.where(i < be[NBLK], i, 0)


def _w_idx(i, be):
    return be[jnp.where(i < be[NBLK], i, be[NBLK] - 1)]


_ffn_call = pl.pallas_call(
    _ffn_body,
    grid_spec=pltpu.PrefetchScalarGridSpec(
        num_scalar_prefetch=1,
        grid=(NBLK,),
        in_specs=[
            pl.BlockSpec((BLK, D), lambda i, be: (_data_idx(i, be), 0)),
            pl.BlockSpec((BLK, 128), lambda i, be: (_data_idx(i, be), 0)),
            pl.BlockSpec((1, D, H), lambda i, be: (_w_idx(i, be), 0, 0)),
            pl.BlockSpec((1, 1, H), lambda i, be: (_w_idx(i, be), 0, 0)),
            pl.BlockSpec((1, H, D), lambda i, be: (_w_idx(i, be), 0, 0)),
            pl.BlockSpec((1, 1, D), lambda i, be: (_w_idx(i, be), 0, 0)),
        ],
        out_specs=pl.BlockSpec((BLK, D), lambda i, be: (i, 0)),
    ),
    out_shape=jax.ShapeDtypeStruct((CAP, D), jnp.float32),
)


def kernel(inputs, embed, router_weights, w1, b1, w2, b2):
    b, s, d = inputs.shape
    x = inputs.reshape(T, D)
    e2 = embed.reshape(T, ED)
    pos2d, gate_w, be2d, l1, imp = _router_call(e2, x, router_weights)
    pos3 = pos2d.reshape(NW, NCH, CH)
    posf = pos2d.reshape(T)
    be = be2d[0, :NBLK + 1]
    _sc_dispatch, _sc_combine = _sc_kernels()
    xs, gs = _sc_dispatch(pos3, posf, x, gate_w)
    ys = _ffn_call(be, xs, gs, w1, b1.reshape(E, 1, H), w2, b2.reshape(E, 1, D))
    out = _sc_combine(pos3, ys)
    return (out.reshape(b, s, d), l1[0, 0], imp[0, 0])

# --- scband reference (transcript-rebuilt; emitter-appended) ---
"""Pipeline reference for scband-fmoe-cat-embed-feed-forward-1743756722201 (READ-ONLY COPY).

The authoritative reference and input builder live on the scoring server;
editing this copy changes nothing except your own understanding.
"""

import jax, jax.numpy as jnp
import numpy as np

B, S, IDIM, EDIM, E, H = 2, 2048, 1024, 128, 8, 1024


def setup_inputs(seed: int = 0) -> dict:
    key = jax.random.key(seed)
    ks = jax.random.split(key, 6)
    inputs = jax.random.normal(ks[0], (B, S, IDIM), dtype=jnp.float32)
    embed = jax.random.normal(ks[1], (B, S, EDIM), dtype=jnp.float32)
    rin = IDIM + EDIM
    # xavier_uniform with gain=0.5 (rand_init_router=True)
    bound = 0.5 * np.sqrt(6.0 / (rin + E))
    router_weights = jax.random.uniform(ks[2], (rin, E), dtype=jnp.float32, minval=-bound, maxval=bound)
    w1 = jax.random.normal(ks[3], (E, IDIM, H), dtype=jnp.float32) * 0.02
    b1 = jnp.zeros((E, H), dtype=jnp.float32)
    w2 = jax.random.normal(ks[4], (E, H, IDIM), dtype=jnp.float32) * 0.02
    b2 = jnp.zeros((E, IDIM), dtype=jnp.float32)
    return {"inputs": inputs, "embed": embed, "router_weights": router_weights,
            "w1": w1, "b1": b1, "w2": w2, "b2": b2}


def _expert_ffn(x, gate_idx, w1, b1, w2, b2):
    # Dense dispatch/combine: mathematically identical to FMoE's
    # scatter -> per-expert FMoELinear -> gather (capacity < 0 => no dropping).
    num_experts = w1.shape[0]
    dispatch = jax.nn.one_hot(gate_idx, num_experts, dtype=x.dtype)  # [T, E]
    xe = jnp.einsum('te,td->etd', dispatch, x)                        # scatter tokens to experts
    h = jax.nn.relu(jnp.einsum('etd,edh->eth', xe, w1) + b1[:, None, :])  # w_1 + ReLU (dropout p=0)
    y = jnp.einsum('eth,ehd->etd', h, w2) + b2[:, None, :]                 # w_2
    return jnp.einsum('etd,te->td', y, dispatch)                           # gather back


def reference(inputs, embed, router_weights, w1, b1, w2, b2):
    b, s, d = inputs.shape
    x = inputs.reshape(-1, d)
    e = embed.reshape(-1, embed.shape[-1])
    router_in = jnp.concatenate([e, x], axis=-1)
    router_logits = router_in @ router_weights
    router_probs = jax.nn.softmax(router_logits, axis=-1)
    gate_value = jnp.max(router_probs, axis=-1)
    gate_idx = jnp.argmax(router_probs, axis=-1)
    # SparseL1Loss: mean per-token L1 norm of router probabilities
    l1_loss = jnp.mean(jnp.sum(jnp.abs(router_probs), axis=-1))
    # BalanceImportanceLoss: squared coefficient of variation of per-expert importance
    importance = jnp.sum(router_probs, axis=0)
    imp_loss = jnp.var(importance) / (jnp.mean(importance) ** 2 + 1e-10)
    expert_out = _expert_ffn(x, gate_idx, w1, b1, w2, b2)
    expert_out = expert_out * gate_value[:, None]  # keep_expert_output=False
    output = expert_out.reshape(b, s, d)
    return (output, l1_loss, imp_loss)

if __name__ == "__main__":
    import jax
    _d = setup_inputs()
    print(jax.jit(kernel)(*tuple(_d.values())))

</pallas_src>

<mosaic_0001>
#map = affine_map<(d0, d1) -> (0, 0, 0)>
#map1 = affine_map<(d0, d1) -> (0, 0)>
module attributes {stable_mosaic.version = 14 : i64} {
  func.func @_sc_combine(%arg0: i32, %arg1: i32, %arg2: memref<32x4x32xi32, #tpu.memory_space<hbm>>, %arg3: memref<7680x1024xf32, #tpu.memory_space<hbm>>, %arg4: memref<4096x1024xf32, #tpu.memory_space<hbm>>, %arg5: memref<4x32xi32, #tpu.memory_space<vmem>>, %arg6: memref<32x1024xf32, #tpu.memory_space<vmem>>, %arg7: memref<32x1024xf32, #tpu.memory_space<vmem>>, %arg8: memref<!tpu.dma_semaphore, #tpu.memory_space<semaphore_mem>>, %arg9: memref<!tpu.dma_semaphore, #tpu.memory_space<semaphore_mem>>, %arg10: memref<!tpu.dma_semaphore, #tpu.memory_space<semaphore_mem>>, %arg11: memref<!tpu.dma_semaphore, #tpu.memory_space<semaphore_mem>>) attributes {dimension_semantics = [#tpu.dimension_semantics<core_parallel>, #tpu.dimension_semantics<subcore_parallel>], iteration_bounds = array<i64: 2, 16>, scalar_prefetch = 0 : i64, scratch_operands = 7 : i64, tpu.core_type = #tpu.core_type<sc_vector_subcore>, window_params = [{transform_indices = #map}, {transform_indices = #map1}, {transform_indices = #map1}]} {
    %mul3A = arith.constant 2 : i32
    %mul3A_0 = arith.muli %arg1, %mul3A : i32
    %add3A = arith.addi %mul3A_0, %arg0 : i32
    %mul3A_1 = arith.constant 128 : i32
    %mul3A_2 = arith.muli %add3A, %mul3A_1 : i32
    "tpu.region"() ({
      %run_scoped3A = tpu.sem_alloc : memref<!tpu.dma_semaphore, #tpu.memory_space<semaphore_mem>>
      %dma_start3A_97 = arith.constant 0 : i32
      %dma_start3A_98 = arith.constant 0 : i32
      %dma_start3A_99 = tpu.memref_slice %arg2[%add3A, %dma_start3A_97, %dma_start3A_98] : memref<32x4x32xi32, #tpu.memory_space<hbm>> -> memref<1x4x32xi32, #tpu.memory_space<hbm>>
      %dma_start3A_100 = tpu.memref_squeeze %dma_start3A_99 : memref<1x4x32xi32, #tpu.memory_space<hbm>> -> memref<4x32xi32, #tpu.memory_space<hbm>>
      %dma_start3A_101 = arith.constant 0 : i32
      %dma_start3A_102 = arith.constant 0 : i32
      %dma_start3A_103 = tpu.memref_slice %arg2[%add3A, %dma_start3A_101, %dma_start3A_102] : memref<32x4x32xi32, #tpu.memory_space<hbm>> -> memref<1x4x32xi32, #tpu.memory_space<hbm>>
      %dma_start3A_104 = tpu.memref_squeeze %dma_start3A_103 : memref<1x4x32xi32, #tpu.memory_space<hbm>> -> memref<4x32xi32, #tpu.memory_space<hbm>>
      tpu.enqueue_dma source(%dma_start3A_104 : memref<4x32xi32, #tpu.memory_space<hbm>>) target(%arg5 : memref<4x32xi32, #tpu.memory_space<vmem>>) target_semaphore(%run_scoped3A : memref<!tpu.dma_semaphore, #tpu.memory_space<semaphore_mem>>)
      %dma_wait3A_105 = arith.constant 0 : i32
      %dma_wait3A_106 = arith.constant 0 : i32
      %dma_wait3A_107 = tpu.memref_slice %arg2[%add3A, %dma_wait3A_105, %dma_wait3A_106] : memref<32x4x32xi32, #tpu.memory_space<hbm>> -> memref<1x4x32xi32, #tpu.memory_space<hbm>>
      %dma_wait3A_108 = tpu.memref_squeeze %dma_wait3A_107 : memref<1x4x32xi32, #tpu.memory_space<hbm>> -> memref<4x32xi32, #tpu.memory_space<hbm>>
      %dma_wait3A_109 = arith.constant 0 : i32
      %dma_wait3A_110 = arith.constant 0 : i32
      %dma_wait3A_111 = tpu.memref_slice %arg2[%add3A, %dma_wait3A_109, %dma_wait3A_110] : memref<32x4x32xi32, #tpu.memory_space<hbm>> -> memref<1x4x32xi32, #tpu.memory_space<hbm>>
      %dma_wait3A_112 = tpu.memref_squeeze %dma_wait3A_111 : memref<1x4x32xi32, #tpu.memory_space<hbm>> -> memref<4x32xi32, #tpu.memory_space<hbm>>
      tpu.wait_dma2 semaphore(%run_scoped3A : memref<!tpu.dma_semaphore, #tpu.memory_space<semaphore_mem>>) src(%dma_wait3A_112 : memref<4x32xi32, #tpu.memory_space<hbm>>) dst(%arg5 : memref<4x32xi32, #tpu.memory_space<vmem>>)
      tpu.yield
    }) : () -> ()
    %dma_start3A = arith.constant 0 : i32
    %dma_start3A_3 = arith.constant 0 : i32
    %dma_start3A_4 = tpu.memref_slice %arg5[%dma_start3A, %dma_start3A_3] : memref<4x32xi32, #tpu.memory_space<vmem>> -> memref<1x32xi32, #tpu.memory_space<vmem>>
    %dma_start3A_5 = tpu.memref_squeeze %dma_start3A_4 : memref<1x32xi32, #tpu.memory_space<vmem>> -> memref<32xi32, #tpu.memory_space<vmem>>
    %dma_start3A_6 = arith.constant 0 : i32
    %dma_start3A_7 = arith.constant 0 : i32
    %dma_start3A_8 = tpu.memref_slice %arg3[%dma_start3A_6, %dma_start3A_7] : memref<7680x1024xf32, #tpu.memory_space<hbm>> -> memref<7680x1024xf32, #tpu.memory_space<hbm>>
    tpu.enqueue_indirect_dma source(%dma_start3A_8 : memref<7680x1024xf32, #tpu.memory_space<hbm>>) target(%arg6 : memref<32x1024xf32, #tpu.memory_space<vmem>>) offsets(%dma_start3A_5 : memref<32xi32, #tpu.memory_space<vmem>>) semaphore(%arg8 : memref<!tpu.dma_semaphore, #tpu.memory_space<semaphore_mem>>)
    %dma_start3A_9 = arith.constant 1 : i32
    %dma_start3A_10 = arith.constant 0 : i32
    %dma_start3A_11 = tpu.memref_slice %arg5[%dma_start3A_9, %dma_start3A_10] : memref<4x32xi32, #tpu.memory_space<vmem>> -> memref<1x32xi32, #tpu.memory_space<vmem>>
    %dma_start3A_12 = tpu.memref_squeeze %dma_start3A_11 : memref<1x32xi32, #tpu.memory_space<vmem>> -> memref<32xi32, #tpu.memory_space<vmem>>
    %dma_start3A_13 = arith.constant 0 : i32
    %dma_start3A_14 = arith.constant 0 : i32
    %dma_start3A_15 = tpu.memref_slice %arg3[%dma_start3A_13, %dma_start3A_14] : memref<7680x1024xf32, #tpu.memory_space<hbm>> -> memref<7680x1024xf32, #tpu.memory_space<hbm>>
    tpu.enqueue_indirect_dma source(%dma_start3A_15 : memref<7680x1024xf32, #tpu.memory_space<hbm>>) target(%arg7 : memref<32x1024xf32, #tpu.memory_space<vmem>>) offsets(%dma_start3A_12 : memref<32xi32, #tpu.memory_space<vmem>>) semaphore(%arg9 : memref<!tpu.dma_semaphore, #tpu.memory_space<semaphore_mem>>)
    %dma_wait3A = arith.constant 0 : i32
    %dma_wait3A_16 = arith.constant 0 : i32
    %dma_wait3A_17 = tpu.memref_slice %arg5[%dma_wait3A, %dma_wait3A_16] : memref<4x32xi32, #tpu.memory_space<vmem>> -> memref<1x32xi32, #tpu.memory_space<vmem>>
    %dma_wait3A_18 = tpu.memref_squeeze %dma_wait3A_17 : memref<1x32xi32, #tpu.memory_space<vmem>> -> memref<32xi32, #tpu.memory_space<vmem>>
    %dma_wait3A_19 = arith.constant 0 : i32
    %dma_wait3A_20 = arith.constant 0 : i32
    %dma_wait3A_21 = tpu.memref_slice %arg3[%dma_wait3A_19, %dma_wait3A_20] : memref<7680x1024xf32, #tpu.memory_space<hbm>> -> memref<7680x1024xf32, #tpu.memory_space<hbm>>
    tpu.wait_indirect_dma semaphore(%arg8 : memref<!tpu.dma_semaphore, #tpu.memory_space<semaphore_mem>>) src(%dma_wait3A_21 : memref<7680x1024xf32, #tpu.memory_space<hbm>>) dst(%arg6 : memref<32x1024xf32, #tpu.memory_space<vmem>>)
    %add3A_22 = arith.constant 0 : i32
    %add3A_23 = arith.addi %mul3A_2, %add3A_22 : i32
    %dma_start3A_24 = arith.constant 0 : i32
    %dma_start3A_25 = tpu.memref_slice %arg4[%add3A_23, %dma_start3A_24] : memref<4096x1024xf32, #tpu.memory_space<hbm>> -> memref<32x1024xf32, #tpu.memory_space<hbm>>
    %dma_start3A_26 = arith.constant 0 : i32
    %dma_start3A_27 = tpu.memref_slice %arg4[%add3A_23, %dma_start3A_26] : memref<4096x1024xf32, #tpu.memory_space<hbm>> -> memref<32x1024xf32, #tpu.memory_space<hbm>>
    tpu.enqueue_dma source(%arg6 : memref<32x1024xf32, #tpu.memory_space<vmem>>) target(%dma_start3A_27 : memref<32x1024xf32, #tpu.memory_space<hbm>>) target_semaphore(%arg10 : memref<!tpu.dma_semaphore, #tpu.memory_space<semaphore_mem>>)
    %dma_wait3A_28 = arith.constant 0 : i32
    %dma_wait3A_29 = tpu.memref_slice %arg4[%add3A_23, %dma_wait3A_28] : memref<4096x1024xf32, #tpu.memory_space<hbm>> -> memref<32x1024xf32, #tpu.memory_space<hbm>>
    %dma_wait3A_30 = arith.constant 0 : i32
    %dma_wait3A_31 = tpu.memref_slice %arg4[%add3A_23, %dma_wait3A_30] : memref<4096x1024xf32, #tpu.memory_space<hbm>> -> memref<32x1024xf32, #tpu.memory_space<hbm>>
    tpu.wait_dma2 semaphore(%arg10 : memref<!tpu.dma_semaphore, #tpu.memory_space<semaphore_mem>>) src(%arg6 : memref<32x1024xf32, #tpu.memory_space<vmem>>) dst(%dma_wait3A_31 : memref<32x1024xf32, #tpu.memory_space<hbm>>)
    %dma_start3A_32 = arith.constant 2 : i32
    %dma_start3A_33 = arith.constant 0 : i32
    %dma_start3A_34 = tpu.memref_slice %arg5[%dma_start3A_32, %dma_start3A_33] : memref<4x32xi32, #tpu.memory_space<vmem>> -> memref<1x32xi32, #tpu.memory_space<vmem>>
    %dma_start3A_35 = tpu.memref_squeeze %dma_start3A_34 : memref<1x32xi32, #tpu.memory_space<vmem>> -> memref<32xi32, #tpu.memory_space<vmem>>
    %dma_start3A_36 = arith.constant 0 : i32
    %dma_start3A_37 = arith.constant 0 : i32
    %dma_start3A_38 = tpu.memref_slice %arg3[%dma_start3A_36, %dma_start3A_37] : memref<7680x1024xf32, #tpu.memory_space<hbm>> -> memref<7680x1024xf32, #tpu.memory_space<hbm>>
    tpu.enqueue_indirect_dma source(%dma_start3A_38 : memref<7680x1024xf32, #tpu.memory_space<hbm>>) target(%arg6 : memref<32x1024xf32, #tpu.memory_space<vmem>>) offsets(%dma_start3A_35 : memref<32xi32, #tpu.memory_space<vmem>>) semaphore(%arg8 : memref<!tpu.dma_semaphore, #tpu.memory_space<semaphore_mem>>)
    %dma_wait3A_39 = arith.constant 1 : i32
    %dma_wait3A_40 = arith.constant 0 : i32
    %dma_wait3A_41 = tpu.memref_slice %arg5[%dma_wait3A_39, %dma_wait3A_40] : memref<4x32xi32, #tpu.memory_space<vmem>> -> memref<1x32xi32, #tpu.memory_space<vmem>>
    %dma_wait3A_42 = tpu.memref_squeeze %dma_wait3A_41 : memref<1x32xi32, #tpu.memory_space<vmem>> -> memref<32xi32, #tpu.memory_space<vmem>>
    %dma_wait3A_43 = arith.constant 0 : i32
    %dma_wait3A_44 = arith.constant 0 : i32
    %dma_wait3A_45 = tpu.memref_slice %arg3[%dma_wait3A_43, %dma_wait3A_44] : memref<7680x1024xf32, #tpu.memory_space<hbm>> -> memref<7680x1024xf32, #tpu.memory_space<hbm>>
    tpu.wait_indirect_dma semaphore(%arg9 : memref<!tpu.dma_semaphore, #tpu.memory_space<semaphore_mem>>) src(%dma_wait3A_45 : memref<7680x1024xf32, #tpu.memory_space<hbm>>) dst(%arg7 : memref<32x1024xf32, #tpu.memory_space<vmem>>)
    %add3A_46 = arith.constant 32 : i32
    %add3A_47 = arith.addi %mul3A_2, %add3A_46 : i32
    %dma_start3A_48 = arith.constant 0 : i32
    %dma_start3A_49 = tpu.memref_slice %arg4[%add3A_47, %dma_start3A_48] : memref<4096x1024xf32, #tpu.memory_space<hbm>> -> memref<32x1024xf32, #tpu.memory_space<hbm>>
    %dma_start3A_50 = arith.constant 0 : i32
    %dma_start3A_51 = tpu.memref_slice %arg4[%add3A_47, %dma_start3A_50] : memref<4096x1024xf32, #tpu.memory_space<hbm>> -> memref<32x1024xf32, #tpu.memory_space<hbm>>
    tpu.enqueue_dma source(%arg7 : memref<32x1024xf32, #tpu.memory_space<vmem>>) target(%dma_start3A_51 : memref<32x1024xf32, #tpu.memory_space<hbm>>) target_semaphore(%arg11 : memref<!tpu.dma_semaphore, #tpu.memory_space<semaphore_mem>>)
    %dma_wait3A_52 = arith.constant 0 : i32
    %dma_wait3A_53 = tpu.memref_slice %arg4[%add3A_47, %dma_wait3A_52] : memref<4096x1024xf32, #tpu.memory_space<hbm>> -> memref<32x1024xf32, #tpu.memory_space<hbm>>
    %dma_wait3A_54 = arith.constant 0 : i32
    %dma_wait3A_55 = tpu.memref_slice %arg4[%add3A_47, %dma_wait3A_54] : memref<4096x1024xf32, #tpu.memory_space<hbm>> -> memref<32x1024xf32, #tpu.memory_space<hbm>>
    tpu.wait_dma2 semaphore(%arg11 : memref<!tpu.dma_semaphore, #tpu.memory_space<semaphore_mem>>) src(%arg7 : memref<32x1024xf32, #tpu.memory_space<vmem>>) dst(%dma_wait3A_55 : memref<32x1024xf32, #tpu.memory_space<hbm>>)
    %dma_start3A_56 = arith.constant 3 : i32
    %dma_start3A_57 = arith.constant 0 : i32
    %dma_start3A_58 = tpu.memref_slice %arg5[%dma_start3A_56, %dma_start3A_57] : memref<4x32xi32, #tpu.memory_space<vmem>> -> memref<1x32xi32, #tpu.memory_space<vmem>>
    %dma_start3A_59 = tpu.memref_squeeze %dma_start3A_58 : memref<1x32xi32, #tpu.memory_space<vmem>> -> memref<32xi32, #tpu.memory_space<vmem>>
    %dma_start3A_60 = arith.constant 0 : i32
    %dma_start3A_61 = arith.constant 0 : i32
    %dma_start3A_62 = tpu.memref_slice %arg3[%dma_start3A_60, %dma_start3A_61] : memref<7680x1024xf32, #tpu.memory_space<hbm>> -> memref<7680x1024xf32, #tpu.memory_space<hbm>>
    tpu.enqueue_indirect_dma source(%dma_start3A_62 : memref<7680x1024xf32, #tpu.memory_space<hbm>>) target(%arg7 : memref<32x1024xf32, #tpu.memory_space<vmem>>) offsets(%dma_start3A_59 : memref<32xi32, #tpu.memory_space<vmem>>) semaphore(%arg9 : memref<!tpu.dma_semaphore, #tpu.memory_space<semaphore_mem>>)
    %dma_wait3A_63 = arith.constant 2 : i32
    %dma_wait3A_64 = arith.constant 0 : i32
    %dma_wait3A_65 = tpu.memref_slice %arg5[%dma_wait3A_63, %dma_wait3A_64] : memref<4x32xi32, #tpu.memory_space<vmem>> -> memref<1x32xi32, #tpu.memory_space<vmem>>
    %dma_wait3A_66 = tpu.memref_squeeze %dma_wait3A_65 : memref<1x32xi32, #tpu.memory_space<vmem>> -> memref<32xi32, #tpu.memory_space<vmem>>
    %dma_wait3A_67 = arith.constant 0 : i32
    %dma_wait3A_68 = arith.constant 0 : i32
    %dma_wait3A_69 = tpu.memref_slice %arg3[%dma_wait3A_67, %dma_wait3A_68] : memref<7680x1024xf32, #tpu.memory_space<hbm>> -> memref<7680x1024xf32, #tpu.memory_space<hbm>>
    tpu.wait_indirect_dma semaphore(%arg8 : memref<!tpu.dma_semaphore, #tpu.memory_space<semaphore_mem>>) src(%dma_wait3A_69 : memref<7680x1024xf32, #tpu.memory_space<hbm>>) dst(%arg6 : memref<32x1024xf32, #tpu.memory_space<vmem>>)
    %add3A_70 = arith.constant 64 : i32
    %add3A_71 = arith.addi %mul3A_2, %add3A_70 : i32
    %dma_start3A_72 = arith.constant 0 : i32
    %dma_start3A_73 = tpu.memref_slice %arg4[%add3A_71, %dma_start3A_72] : memref<4096x1024xf32, #tpu.memory_space<hbm>> -> memref<32x1024xf32, #tpu.memory_space<hbm>>
    %dma_start3A_74 = arith.constant 0 : i32
    %dma_start3A_75 = tpu.memref_slice %arg4[%add3A_71, %dma_start3A_74] : memref<4096x1024xf32, #tpu.memory_space<hbm>> -> memref<32x1024xf32, #tpu.memory_space<hbm>>
    tpu.enqueue_dma source(%arg6 : memref<32x1024xf32, #tpu.memory_space<vmem>>) target(%dma_start3A_75 : memref<32x1024xf32, #tpu.memory_space<hbm>>) target_semaphore(%arg10 : memref<!tpu.dma_semaphore, #tpu.memory_space<semaphore_mem>>)
    %dma_wait3A_76 = arith.constant 3 : i32
    %dma_wait3A_77 = arith.constant 0 : i32
    %dma_wait3A_78 = tpu.memref_slice %arg5[%dma_wait3A_76, %dma_wait3A_77] : memref<4x32xi32, #tpu.memory_space<vmem>> -> memref<1x32xi32, #tpu.memory_space<vmem>>
    %dma_wait3A_79 = tpu.memref_squeeze %dma_wait3A_78 : memref<1x32xi32, #tpu.memory_space<vmem>> -> memref<32xi32, #tpu.memory_space<vmem>>
    %dma_wait3A_80 = arith.constant 0 : i32
    %dma_wait3A_81 = arith.constant 0 : i32
    %dma_wait3A_82 = tpu.memref_slice %arg3[%dma_wait3A_80, %dma_wait3A_81] : memref<7680x1024xf32, #tpu.memory_space<hbm>> -> memref<7680x1024xf32, #tpu.memory_space<hbm>>
    tpu.wait_indirect_dma semaphore(%arg9 : memref<!tpu.dma_semaphore, #tpu.memory_space<semaphore_mem>>) src(%dma_wait3A_82 : memref<7680x1024xf32, #tpu.memory_space<hbm>>) dst(%arg7 : memref<32x1024xf32, #tpu.memory_space<vmem>>)
    %add3A_83 = arith.constant 96 : i32
    %add3A_84 = arith.addi %mul3A_2, %add3A_83 : i32
    %dma_start3A_85 = arith.constant 0 : i32
    %dma_start3A_86 = tpu.memref_slice %arg4[%add3A_84, %dma_start3A_85] : memref<4096x1024xf32, #tpu.memory_space<hbm>> -> memref<32x1024xf32, #tpu.memory_space<hbm>>
    %dma_start3A_87 = arith.constant 0 : i32
    %dma_start3A_88 = tpu.memref_slice %arg4[%add3A_84, %dma_start3A_87] : memref<4096x1024xf32, #tpu.memory_space<hbm>> -> memref<32x1024xf32, #tpu.memory_space<hbm>>
    tpu.enqueue_dma source(%arg7 : memref<32x1024xf32, #tpu.memory_space<vmem>>) target(%dma_start3A_88 : memref<32x1024xf32, #tpu.memory_space<hbm>>) target_semaphore(%arg11 : memref<!tpu.dma_semaphore, #tpu.memory_space<semaphore_mem>>)
    %dma_wait3A_89 = arith.constant 0 : i32
    %dma_wait3A_90 = tpu.memref_slice %arg4[%add3A_71, %dma_wait3A_89] : memref<4096x1024xf32, #tpu.memory_space<hbm>> -> memref<32x1024xf32, #tpu.memory_space<hbm>>
    %dma_wait3A_91 = arith.constant 0 : i32
    %dma_wait3A_92 = tpu.memref_slice %arg4[%add3A_71, %dma_wait3A_91] : memref<4096x1024xf32, #tpu.memory_space<hbm>> -> memref<32x1024xf32, #tpu.memory_space<hbm>>
    tpu.wait_dma2 semaphore(%arg10 : memref<!tpu.dma_semaphore, #tpu.memory_space<semaphore_mem>>) src(%arg6 : memref<32x1024xf32, #tpu.memory_space<vmem>>) dst(%dma_wait3A_92 : memref<32x1024xf32, #tpu.memory_space<hbm>>)
    %dma_wait3A_93 = arith.constant 0 : i32
    %dma_wait3A_94 = tpu.memref_slice %arg4[%add3A_84, %dma_wait3A_93] : memref<4096x1024xf32, #tpu.memory_space<hbm>> -> memref<32x1024xf32, #tpu.memory_space<hbm>>
    %dma_wait3A_95 = arith.constant 0 : i32
    %dma_wait3A_96 = tpu.memref_slice %arg4[%add3A_84, %dma_wait3A_95] : memref<4096x1024xf32, #tpu.memory_space<hbm>> -> memref<32x1024xf32, #tpu.memory_space<hbm>>
    tpu.wait_dma2 semaphore(%arg11 : memref<!tpu.dma_semaphore, #tpu.memory_space<semaphore_mem>>) src(%arg7 : memref<32x1024xf32, #tpu.memory_space<vmem>>) dst(%dma_wait3A_96 : memref<32x1024xf32, #tpu.memory_space<hbm>>)
    return
  }
}

#map = affine_map<(d0, d1) -> (0, 0, 0)>
#map1 = affine_map<(d0, d1) -> (0)>
#map2 = affine_map<(d0, d1) -> (0, 0)>
module attributes {stable_mosaic.version = 14 : i64} {
  func.func @_sc_dispatch(%arg0: i32, %arg1: i32, %arg2: memref<32x4x32xi32, #tpu.memory_space<hbm>>, %arg3: memref<4096xi32, #tpu.memory_space<hbm>>, %arg4: memref<4096x1024xf32, #tpu.memory_space<hbm>>, %arg5: memref<4096x128xf32, #tpu.memory_space<hbm>>, %arg6: memref<7680x1024xf32, #tpu.memory_space<hbm>>, %arg7: memref<7680x128xf32, #tpu.memory_space<hbm>>, %arg8: memref<4x32xi32, #tpu.memory_space<vmem>>, %arg9: memref<128xi32, #tpu.memory_space<vmem>>, %arg10: memref<32x1024xf32, #tpu.memory_space<vmem>>, %arg11: memref<32x1024xf32, #tpu.memory_space<vmem>>, %arg12: memref<128x128xf32, #tpu.memory_space<vmem>>, %arg13: memref<!tpu.dma_semaphore, #tpu.memory_space<semaphore_mem>>, %arg14: memref<!tpu.dma_semaphore, #tpu.memory_space<semaphore_mem>>, %arg15: memref<!tpu.dma_semaphore, #tpu.memory_space<semaphore_mem>>, %arg16: memref<!tpu.dma_semaphore, #tpu.memory_space<semaphore_mem>>, %arg17: memref<!tpu.dma_semaphore, #tpu.memory_space<semaphore_mem>>) attributes {dimension_semantics = [#tpu.dimension_semantics<core_parallel>, #tpu.dimension_semantics<subcore_parallel>], iteration_bounds = array<i64: 2, 16>, scalar_prefetch = 0 : i64, scratch_operands = 10 : i64, tpu.core_type = #tpu.core_type<sc_vector_subcore>, window_params = [{transform_indices = #map}, {transform_indices = #map1}, {transform_indices = #map2}, {transform_indices = #map2}, {transform_indices = #map2}, {transform_indices = #map2}]} {
    %mul3A = arith.constant 2 : i32
    %mul3A_0 = arith.muli %arg1, %mul3A : i32
    %add3A = arith.addi %mul3A_0, %arg0 : i32
    %mul3A_1 = arith.constant 128 : i32
    %mul3A_2 = arith.muli %add3A, %mul3A_1 : i32
    "tpu.region"() ({
      %run_scoped3A = tpu.sem_alloc : memref<!tpu.dma_semaphore, #tpu.memory_space<semaphore_mem>>
      %dma_start3A_101 = arith.constant 0 : i32
      %dma_start3A_102 = arith.constant 0 : i32
      %dma_start3A_103 = tpu.memref_slice %arg2[%add3A, %dma_start3A_101, %dma_start3A_102] : memref<32x4x32xi32, #tpu.memory_space<hbm>> -> memref<1x4x32xi32, #tpu.memory_space<hbm>>
      %dma_start3A_104 = tpu.memref_squeeze %dma_start3A_103 : memref<1x4x32xi32, #tpu.memory_space<hbm>> -> memref<4x32xi32, #tpu.memory_space<hbm>>
      %dma_start3A_105 = arith.constant 0 : i32
      %dma_start3A_106 = arith.constant 0 : i32
      %dma_start3A_107 = tpu.memref_slice %arg2[%add3A, %dma_start3A_105, %dma_start3A_106] : memref<32x4x32xi32, #tpu.memory_space<hbm>> -> memref<1x4x32xi32, #tpu.memory_space<hbm>>
      %dma_start3A_108 = tpu.memref_squeeze %dma_start3A_107 : memref<1x4x32xi32, #tpu.memory_space<hbm>> -> memref<4x32xi32, #tpu.memory_space<hbm>>
      tpu.enqueue_dma source(%dma_start3A_108 : memref<4x32xi32, #tpu.memory_space<hbm>>) target(%arg8 : memref<4x32xi32, #tpu.memory_space<vmem>>) target_semaphore(%run_scoped3A : memref<!tpu.dma_semaphore, #tpu.memory_space<semaphore_mem>>)
      %dma_wait3A_109 = arith.constant 0 : i32
      %dma_wait3A_110 = arith.constant 0 : i32
      %dma_wait3A_111 = tpu.memref_slice %arg2[%add3A, %dma_wait3A_109, %dma_wait3A_110] : memref<32x4x32xi32, #tpu.memory_space<hbm>> -> memref<1x4x32xi32, #tpu.memory_space<hbm>>
      %dma_wait3A_112 = tpu.memref_squeeze %dma_wait3A_111 : memref<1x4x32xi32, #tpu.memory_space<hbm>> -> memref<4x32xi32, #tpu.memory_space<hbm>>
      %dma_wait3A_113 = arith.constant 0 : i32
      %dma_wait3A_114 = arith.constant 0 : i32
      %dma_wait3A_115 = tpu.memref_slice %arg2[%add3A, %dma_wait3A_113, %dma_wait3A_114] : memref<32x4x32xi32, #tpu.memory_space<hbm>> -> memref<1x4x32xi32, #tpu.memory_space<hbm>>
      %dma_wait3A_116 = tpu.memref_squeeze %dma_wait3A_115 : memref<1x4x32xi32, #tpu.memory_space<hbm>> -> memref<4x32xi32, #tpu.memory_space<hbm>>
      tpu.wait_dma2 semaphore(%run_scoped3A : memref<!tpu.dma_semaphore, #tpu.memory_space<semaphore_mem>>) src(%dma_wait3A_116 : memref<4x32xi32, #tpu.memory_space<hbm>>) dst(%arg8 : memref<4x32xi32, #tpu.memory_space<vmem>>)
      tpu.yield
    }) : () -> ()
    "tpu.region"() ({
      %run_scoped3A = tpu.sem_alloc : memref<!tpu.dma_semaphore, #tpu.memory_space<semaphore_mem>>
      %dma_start3A_101 = tpu.memref_slice %arg3[%mul3A_2] : memref<4096xi32, #tpu.memory_space<hbm>> -> memref<128xi32, #tpu.memory_space<hbm>>
      %dma_start3A_102 = tpu.memref_slice %arg3[%mul3A_2] : memref<4096xi32, #tpu.memory_space<hbm>> -> memref<128xi32, #tpu.memory_space<hbm>>
      tpu.enqueue_dma source(%dma_start3A_102 : memref<128xi32, #tpu.memory_space<hbm>>) target(%arg9 : memref<128xi32, #tpu.memory_space<vmem>>) target_semaphore(%run_scoped3A : memref<!tpu.dma_semaphore, #tpu.memory_space<semaphore_mem>>)
      %dma_wait3A_103 = tpu.memref_slice %arg3[%mul3A_2] : memref<4096xi32, #tpu.memory_space<hbm>> -> memref<128xi32, #tpu.memory_space<hbm>>
      %dma_wait3A_104 = tpu.memref_slice %arg3[%mul3A_2] : memref<4096xi32, #tpu.memory_space<hbm>> -> memref<128xi32, #tpu.memory_space<hbm>>
      tpu.wait_dma2 semaphore(%run_scoped3A : memref<!tpu.dma_semaphore, #tpu.memory_space<semaphore_mem>>) src(%dma_wait3A_104 : memref<128xi32, #tpu.memory_space<hbm>>) dst(%arg9 : memref<128xi32, #tpu.memory_space<vmem>>)
      tpu.yield
    }) : () -> ()
    "tpu.region"() ({
      %run_scoped3A = tpu.sem_alloc : memref<!tpu.dma_semaphore, #tpu.memory_space<semaphore_mem>>
      %dma_start3A_101 = arith.constant 0 : i32
      %dma_start3A_102 = tpu.memref_slice %arg5[%mul3A_2, %dma_start3A_101] : memref<4096x128xf32, #tpu.memory_space<hbm>> -> memref<128x128xf32, #tpu.memory_space<hbm>>
      %dma_start3A_103 = arith.constant 0 : i32
      %dma_start3A_104 = tpu.memref_slice %arg5[%mul3A_2, %dma_start3A_103] : memref<4096x128xf32, #tpu.memory_space<hbm>> -> memref<128x128xf32, #tpu.memory_space<hbm>>
      tpu.enqueue_dma source(%dma_start3A_104 : memref<128x128xf32, #tpu.memory_space<hbm>>) target(%arg12 : memref<128x128xf32, #tpu.memory_space<vmem>>) target_semaphore(%run_scoped3A : memref<!tpu.dma_semaphore, #tpu.memory_space<semaphore_mem>>)
      %dma_wait3A_105 = arith.constant 0 : i32
      %dma_wait3A_106 = tpu.memref_slice %arg5[%mul3A_2, %dma_wait3A_105] : memref<4096x128xf32, #tpu.memory_space<hbm>> -> memref<128x128xf32, #tpu.memory_space<hbm>>
      %dma_wait3A_107 = arith.constant 0 : i32
      %dma_wait3A_108 = tpu.memref_slice %arg5[%mul3A_2, %dma_wait3A_107] : memref<4096x128xf32, #tpu.memory_space<hbm>> -> memref<128x128xf32, #tpu.memory_space<hbm>>
      tpu.wait_dma2 semaphore(%run_scoped3A : memref<!tpu.dma_semaphore, #tpu.memory_space<semaphore_mem>>) src(%dma_wait3A_108 : memref<128x128xf32, #tpu.memory_space<hbm>>) dst(%arg12 : memref<128x128xf32, #tpu.memory_space<vmem>>)
      tpu.yield
    }) : () -> ()
    %dma_start3A = arith.constant 0 : i32
    %dma_start3A_3 = arith.constant 0 : i32
    %dma_start3A_4 = tpu.memref_slice %arg7[%dma_start3A, %dma_start3A_3] : memref<7680x128xf32, #tpu.memory_space<hbm>> -> memref<7680x128xf32, #tpu.memory_space<hbm>>
    tpu.enqueue_indirect_dma source(%arg12 : memref<128x128xf32, #tpu.memory_space<vmem>>) target(%dma_start3A_4 : memref<7680x128xf32, #tpu.memory_space<hbm>>) offsets(%arg9 : memref<128xi32, #tpu.memory_space<vmem>>) semaphore(%arg17 : memref<!tpu.dma_semaphore, #tpu.memory_space<semaphore_mem>>)
    %dma_start3A_5 = arith.constant 0 : i32
    %dma_start3A_6 = tpu.memref_slice %arg4[%mul3A_2, %dma_start3A_5] : memref<4096x1024xf32, #tpu.memory_space<hbm>> -> memref<32x1024xf32, #tpu.memory_space<hbm>>
    %dma_start3A_7 = arith.constant 0 : i32
    %dma_start3A_8 = tpu.memref_slice %arg4[%mul3A_2, %dma_start3A_7] : memref<4096x1024xf32, #tpu.memory_space<hbm>> -> memref<32x1024xf32, #tpu.memory_space<hbm>>
    tpu.enqueue_dma source(%dma_start3A_8 : memref<32x1024xf32, #tpu.memory_space<hbm>>) target(%arg10 : memref<32x1024xf32, #tpu.memory_space<vmem>>) target_semaphore(%arg13 : memref<!tpu.dma_semaphore, #tpu.memory_space<semaphore_mem>>)
    %add3A_9 = arith.constant 32 : i32
    %add3A_10 = arith.addi %mul3A_2, %add3A_9 : i32
    %dma_start3A_11 = arith.constant 0 : i32
    %dma_start3A_12 = tpu.memref_slice %arg4[%add3A_10, %dma_start3A_11] : memref<4096x1024xf32, #tpu.memory_space<hbm>> -> memref<32x1024xf32, #tpu.memory_space<hbm>>
    %dma_start3A_13 = arith.constant 0 : i32
    %dma_start3A_14 = tpu.memref_slice %arg4[%add3A_10, %dma_start3A_13] : memref<4096x1024xf32, #tpu.memory_space<hbm>> -> memref<32x1024xf32, #tpu.memory_space<hbm>>
    tpu.enqueue_dma source(%dma_start3A_14 : memref<32x1024xf32, #tpu.memory_space<hbm>>) target(%arg11 : memref<32x1024xf32, #tpu.memory_space<vmem>>) target_semaphore(%arg14 : memref<!tpu.dma_semaphore, #tpu.memory_space<semaphore_mem>>)
    %dma_wait3A = arith.constant 0 : i32
    %dma_wait3A_15 = tpu.memref_slice %arg4[%mul3A_2, %dma_wait3A] : memref<4096x1024xf32, #tpu.memory_space<hbm>> -> memref<32x1024xf32, #tpu.memory_space<hbm>>
    %dma_wait3A_16 = arith.constant 0 : i32
    %dma_wait3A_17 = tpu.memref_slice %arg4[%mul3A_2, %dma_wait3A_16] : memref<4096x1024xf32, #tpu.memory_space<hbm>> -> memref<32x1024xf32, #tpu.memory_space<hbm>>
    tpu.wait_dma2 semaphore(%arg13 : memref<!tpu.dma_semaphore, #tpu.memory_space<semaphore_mem>>) src(%dma_wait3A_17 : memref<32x1024xf32, #tpu.memory_space<hbm>>) dst(%arg10 : memref<32x1024xf32, #tpu.memory_space<vmem>>)
    %dma_start3A_18 = arith.constant 0 : i32
    %dma_start3A_19 = arith.constant 0 : i32
    %dma_start3A_20 = tpu.memref_slice %arg8[%dma_start3A_18, %dma_start3A_19] : memref<4x32xi32, #tpu.memory_space<vmem>> -> memref<1x32xi32, #tpu.memory_space<vmem>>
    %dma_start3A_21 = tpu.memref_squeeze %dma_start3A_20 : memref<1x32xi32, #tpu.memory_space<vmem>> -> memref<32xi32, #tpu.memory_space<vmem>>
    %dma_start3A_22 = arith.constant 0 : i32
    %dma_start3A_23 = arith.constant 0 : i32
    %dma_start3A_24 = tpu.memref_slice %arg6[%dma_start3A_22, %dma_start3A_23] : memref<7680x1024xf32, #tpu.memory_space<hbm>> -> memref<7680x1024xf32, #tpu.memory_space<hbm>>
    tpu.enqueue_indirect_dma source(%arg10 : memref<32x1024xf32, #tpu.memory_space<vmem>>) target(%dma_start3A_24 : memref<7680x1024xf32, #tpu.memory_space<hbm>>) offsets(%dma_start3A_21 : memref<32xi32, #tpu.memory_space<vmem>>) semaphore(%arg15 : memref<!tpu.dma_semaphore, #tpu.memory_space<semaphore_mem>>)
    %dma_wait3A_25 = arith.constant 0 : i32
    %dma_wait3A_26 = arith.constant 0 : i32
    %dma_wait3A_27 = tpu.memref_slice %arg8[%dma_wait3A_25, %dma_wait3A_26] : memref<4x32xi32, #tpu.memory_space<vmem>> -> memref<1x32xi32, #tpu.memory_space<vmem>>
    %dma_wait3A_28 = tpu.memref_squeeze %dma_wait3A_27 : memref<1x32xi32, #tpu.memory_space<vmem>> -> memref<32xi32, #tpu.memory_space<vmem>>
    %dma_wait3A_29 = arith.constant 0 : i32
    %dma_wait3A_30 = arith.constant 0 : i32
    %dma_wait3A_31 = tpu.memref_slice %arg6[%dma_wait3A_29, %dma_wait3A_30] : memref<7680x1024xf32, #tpu.memory_space<hbm>> -> memref<7680x1024xf32, #tpu.memory_space<hbm>>
    tpu.wait_indirect_dma semaphore(%arg15 : memref<!tpu.dma_semaphore, #tpu.memory_space<semaphore_mem>>) src(%arg10 : memref<32x1024xf32, #tpu.memory_space<vmem>>) dst(%dma_wait3A_31 : memref<7680x1024xf32, #tpu.memory_space<hbm>>)
    %add3A_32 = arith.constant 64 : i32
    %add3A_33 = arith.addi %mul3A_2, %add3A_32 : i32
    %dma_start3A_34 = arith.constant 0 : i32
    %dma_start3A_35 = tpu.memref_slice %arg4[%add3A_33, %dma_start3A_34] : memref<4096x1024xf32, #tpu.memory_space<hbm>> -> memref<32x1024xf32, #tpu.memory_space<hbm>>
    %dma_start3A_36 = arith.constant 0 : i32
    %dma_start3A_37 = tpu.memref_slice %arg4[%add3A_33, %dma_start3A_36] : memref<4096x1024xf32, #tpu.memory_space<hbm>> -> memref<32x1024xf32, #tpu.memory_space<hbm>>
    tpu.enqueue_dma source(%dma_start3A_37 : memref<32x1024xf32, #tpu.memory_space<hbm>>) target(%arg10 : memref<32x1024xf32, #tpu.memory_space<vmem>>) target_semaphore(%arg13 : memref<!tpu.dma_semaphore, #tpu.memory_space<semaphore_mem>>)
    %dma_wait3A_38 = arith.constant 0 : i32
    %dma_wait3A_39 = tpu.memref_slice %arg4[%add3A_10, %dma_wait3A_38] : memref<4096x1024xf32, #tpu.memory_space<hbm>> -> memref<32x1024xf32, #tpu.memory_space<hbm>>
    %dma_wait3A_40 = arith.constant 0 : i32
    %dma_wait3A_41 = tpu.memref_slice %arg4[%add3A_10, %dma_wait3A_40] : memref<4096x1024xf32, #tpu.memory_space<hbm>> -> memref<32x1024xf32, #tpu.memory_space<hbm>>
    tpu.wait_dma2 semaphore(%arg14 : memref<!tpu.dma_semaphore, #tpu.memory_space<semaphore_mem>>) src(%dma_wait3A_41 : memref<32x1024xf32, #tpu.memory_space<hbm>>) dst(%arg11 : memref<32x1024xf32, #tpu.memory_space<vmem>>)
    %dma_start3A_42 = arith.constant 1 : i32
    %dma_start3A_43 = arith.constant 0 : i32
    %dma_start3A_44 = tpu.memref_slice %arg8[%dma_start3A_42, %dma_start3A_43] : memref<4x32xi32, #tpu.memory_space<vmem>> -> memref<1x32xi32, #tpu.memory_space<vmem>>
    %dma_start3A_45 = tpu.memref_squeeze %dma_start3A_44 : memref<1x32xi32, #tpu.memory_space<vmem>> -> memref<32xi32, #tpu.memory_space<vmem>>
    %dma_start3A_46 = arith.constant 0 : i32
    %dma_start3A_47 = arith.constant 0 : i32
    %dma_start3A_48 = tpu.memref_slice %arg6[%dma_start3A_46, %dma_start3A_47] : memref<7680x1024xf32, #tpu.memory_space<hbm>> -> memref<7680x1024xf32, #tpu.memory_space<hbm>>
    tpu.enqueue_indirect_dma source(%arg11 : memref<32x1024xf32, #tpu.memory_space<vmem>>) target(%dma_start3A_48 : memref<7680x1024xf32, #tpu.memory_space<hbm>>) offsets(%dma_start3A_45 : memref<32xi32, #tpu.memory_space<vmem>>) semaphore(%arg16 : memref<!tpu.dma_semaphore, #tpu.memory_space<semaphore_mem>>)
    %dma_wait3A_49 = arith.constant 1 : i32
    %dma_wait3A_50 = arith.constant 0 : i32
    %dma_wait3A_51 = tpu.memref_slice %arg8[%dma_wait3A_49, %dma_wait3A_50] : memref<4x32xi32, #tpu.memory_space<vmem>> -> memref<1x32xi32, #tpu.memory_space<vmem>>
    %dma_wait3A_52 = tpu.memref_squeeze %dma_wait3A_51 : memref<1x32xi32, #tpu.memory_space<vmem>> -> memref<32xi32, #tpu.memory_space<vmem>>
    %dma_wait3A_53 = arith.constant 0 : i32
    %dma_wait3A_54 = arith.constant 0 : i32
    %dma_wait3A_55 = tpu.memref_slice %arg6[%dma_wait3A_53, %dma_wait3A_54] : memref<7680x1024xf32, #tpu.memory_space<hbm>> -> memref<7680x1024xf32, #tpu.memory_space<hbm>>
    tpu.wait_indirect_dma semaphore(%arg16 : memref<!tpu.dma_semaphore, #tpu.memory_space<semaphore_mem>>) src(%arg11 : memref<32x1024xf32, #tpu.memory_space<vmem>>) dst(%dma_wait3A_55 : memref<7680x1024xf32, #tpu.memory_space<hbm>>)
    %add3A_56 = arith.constant 96 : i32
    %add3A_57 = arith.addi %mul3A_2, %add3A_56 : i32
    %dma_start3A_58 = arith.constant 0 : i32
    %dma_start3A_59 = tpu.memref_slice %arg4[%add3A_57, %dma_start3A_58] : memref<4096x1024xf32, #tpu.memory_space<hbm>> -> memref<32x1024xf32, #tpu.memory_space<hbm>>
    %dma_start3A_60 = arith.constant 0 : i32
    %dma_start3A_61 = tpu.memref_slice %arg4[%add3A_57, %dma_start3A_60] : memref<4096x1024xf32, #tpu.memory_space<hbm>> -> memref<32x1024xf32, #tpu.memory_space<hbm>>
    tpu.enqueue_dma source(%dma_start3A_61 : memref<32x1024xf32, #tpu.memory_space<hbm>>) target(%arg11 : memref<32x1024xf32, #tpu.memory_space<vmem>>) target_semaphore(%arg14 : memref<!tpu.dma_semaphore, #tpu.memory_space<semaphore_mem>>)
    %dma_wait3A_62 = arith.constant 0 : i32
    %dma_wait3A_63 = tpu.memref_slice %arg4[%add3A_33, %dma_wait3A_62] : memref<4096x1024xf32, #tpu.memory_space<hbm>> -> memref<32x1024xf32, #tpu.memory_space<hbm>>
    %dma_wait3A_64 = arith.constant 0 : i32
    %dma_wait3A_65 = tpu.memref_slice %arg4[%add3A_33, %dma_wait3A_64] : memref<4096x1024xf32, #tpu.memory_space<hbm>> -> memref<32x1024xf32, #tpu.memory_space<hbm>>
    tpu.wait_dma2 semaphore(%arg13 : memref<!tpu.dma_semaphore, #tpu.memory_space<semaphore_mem>>) src(%dma_wait3A_65 : memref<32x1024xf32, #tpu.memory_space<hbm>>) dst(%arg10 : memref<32x1024xf32, #tpu.memory_space<vmem>>)
    %dma_start3A_66 = arith.constant 2 : i32
    %dma_start3A_67 = arith.constant 0 : i32
    %dma_start3A_68 = tpu.memref_slice %arg8[%dma_start3A_66, %dma_start3A_67] : memref<4x32xi32, #tpu.memory_space<vmem>> -> memref<1x32xi32, #tpu.memory_space<vmem>>
    %dma_start3A_69 = tpu.memref_squeeze %dma_start3A_68 : memref<1x32xi32, #tpu.memory_space<vmem>> -> memref<32xi32, #tpu.memory_space<vmem>>
    %dma_start3A_70 = arith.constant 0 : i32
    %dma_start3A_71 = arith.constant 0 : i32
    %dma_start3A_72 = tpu.memref_slice %arg6[%dma_start3A_70, %dma_start3A_71] : memref<7680x1024xf32, #tpu.memory_space<hbm>> -> memref<7680x1024xf32, #tpu.memory_space<hbm>>
    tpu.enqueue_indirect_dma source(%arg10 : memref<32x1024xf32, #tpu.memory_space<vmem>>) target(%dma_start3A_72 : memref<7680x1024xf32, #tpu.memory_space<hbm>>) offsets(%dma_start3A_69 : memref<32xi32, #tpu.memory_space<vmem>>) semaphore(%arg15 : memref<!tpu.dma_semaphore, #tpu.memory_space<semaphore_mem>>)
    %dma_wait3A_73 = arith.constant 0 : i32
    %dma_wait3A_74 = tpu.memref_slice %arg4[%add3A_57, %dma_wait3A_73] : memref<4096x1024xf32, #tpu.memory_space<hbm>> -> memref<32x1024xf32, #tpu.memory_space<hbm>>
    %dma_wait3A_75 = arith.constant 0 : i32
    %dma_wait3A_76 = tpu.memref_slice %arg4[%add3A_57, %dma_wait3A_75] : memref<4096x1024xf32, #tpu.memory_space<hbm>> -> memref<32x1024xf32, #tpu.memory_space<hbm>>
    tpu.wait_dma2 semaphore(%arg14 : memref<!tpu.dma_semaphore, #tpu.memory_space<semaphore_mem>>) src(%dma_wait3A_76 : memref<32x1024xf32, #tpu.memory_space<hbm>>) dst(%arg11 : memref<32x1024xf32, #tpu.memory_space<vmem>>)
    %dma_start3A_77 = arith.constant 3 : i32
    %dma_start3A_78 = arith.constant 0 : i32
    %dma_start3A_79 = tpu.memref_slice %arg8[%dma_start3A_77, %dma_start3A_78] : memref<4x32xi32, #tpu.memory_space<vmem>> -> memref<1x32xi32, #tpu.memory_space<vmem>>
    %dma_start3A_80 = tpu.memref_squeeze %dma_start3A_79 : memref<1x32xi32, #tpu.memory_space<vmem>> -> memref<32xi32, #tpu.memory_space<vmem>>
    %dma_start3A_81 = arith.constant 0 : i32
    %dma_start3A_82 = arith.constant 0 : i32
    %dma_start3A_83 = tpu.memref_slice %arg6[%dma_start3A_81, %dma_start3A_82] : memref<7680x1024xf32, #tpu.memory_space<hbm>> -> memref<7680x1024xf32, #tpu.memory_space<hbm>>
    tpu.enqueue_indirect_dma source(%arg11 : memref<32x1024xf32, #tpu.memory_space<vmem>>) target(%dma_start3A_83 : memref<7680x1024xf32, #tpu.memory_space<hbm>>) offsets(%dma_start3A_80 : memref<32xi32, #tpu.memory_space<vmem>>) semaphore(%arg16 : memref<!tpu.dma_semaphore, #tpu.memory_space<semaphore_mem>>)
    %dma_wait3A_84 = arith.constant 2 : i32
    %dma_wait3A_85 = arith.constant 0 : i32
    %dma_wait3A_86 = tpu.memref_slice %arg8[%dma_wait3A_84, %dma_wait3A_85] : memref<4x32xi32, #tpu.memory_space<vmem>> -> memref<1x32xi32, #tpu.memory_space<vmem>>
    %dma_wait3A_87 = tpu.memref_squeeze %dma_wait3A_86 : memref<1x32xi32, #tpu.memory_space<vmem>> -> memref<32xi32, #tpu.memory_space<vmem>>
    %dma_wait3A_88 = arith.constant 0 : i32
    %dma_wait3A_89 = arith.constant 0 : i32
    %dma_wait3A_90 = tpu.memref_slice %arg6[%dma_wait3A_88, %dma_wait3A_89] : memref<7680x1024xf32, #tpu.memory_space<hbm>> -> memref<7680x1024xf32, #tpu.memory_space<hbm>>
    tpu.wait_indirect_dma semaphore(%arg15 : memref<!tpu.dma_semaphore, #tpu.memory_space<semaphore_mem>>) src(%arg10 : memref<32x1024xf32, #tpu.memory_space<vmem>>) dst(%dma_wait3A_90 : memref<7680x1024xf32, #tpu.memory_space<hbm>>)
    %dma_wait3A_91 = arith.constant 3 : i32
    %dma_wait3A_92 = arith.constant 0 : i32
    %dma_wait3A_93 = tpu.memref_slice %arg8[%dma_wait3A_91, %dma_wait3A_92] : memref<4x32xi32, #tpu.memory_space<vmem>> -> memref<1x32xi32, #tpu.memory_space<vmem>>
    %dma_wait3A_94 = tpu.memref_squeeze %dma_wait3A_93 : memref<1x32xi32, #tpu.memory_space<vmem>> -> memref<32xi32, #tpu.memory_space<vmem>>
    %dma_wait3A_95 = arith.constant 0 : i32
    %dma_wait3A_96 = arith.constant 0 : i32
    %dma_wait3A_97 = tpu.memref_slice %arg6[%dma_wait3A_95, %dma_wait3A_96] : memref<7680x1024xf32, #tpu.memory_space<hbm>> -> memref<7680x1024xf32, #tpu.memory_space<hbm>>
    tpu.wait_indirect_dma semaphore(%arg16 : memref<!tpu.dma_semaphore, #tpu.memory_space<semaphore_mem>>) src(%arg11 : memref<32x1024xf32, #tpu.memory_space<vmem>>) dst(%dma_wait3A_97 : memref<7680x1024xf32, #tpu.memory_space<hbm>>)
    %dma_wait3A_98 = arith.constant 0 : i32
    %dma_wait3A_99 = arith.constant 0 : i32
    %dma_wait3A_100 = tpu.memref_slice %arg7[%dma_wait3A_98, %dma_wait3A_99] : memref<7680x128xf32, #tpu.memory_space<hbm>> -> memref<7680x128xf32, #tpu.memory_space<hbm>>
    tpu.wait_indirect_dma semaphore(%arg17 : memref<!tpu.dma_semaphore, #tpu.memory_space<semaphore_mem>>) src(%arg12 : memref<128x128xf32, #tpu.memory_space<vmem>>) dst(%dma_wait3A_100 : memref<7680x128xf32, #tpu.memory_space<hbm>>)
    return
  }
}

module attributes {stable_mosaic.version = 14 : i64} {
  func.func @_ffn_body(%arg0: i32, %arg1: memref<16xi32, #tpu.memory_space<smem>>, %arg2: memref<512x1024xf32, #tpu.memory_space<vmem>>, %arg3: memref<512x128xf32, #tpu.memory_space<vmem>>, %arg4: memref<1x1024x1024xf32, #tpu.memory_space<vmem>>, %arg5: memref<1x1x1024xf32, #tpu.memory_space<vmem>>, %arg6: memref<1x1024x1024xf32, #tpu.memory_space<vmem>>, %arg7: memref<1x1x1024xf32, #tpu.memory_space<vmem>>, %arg8: memref<512x1024xf32, #tpu.memory_space<vmem>>) attributes {dimension_semantics = [#tpu.dimension_semantics<arbitrary>], iteration_bounds = array<i64: 15>, scalar_prefetch = 1 : i64, scratch_operands = 0 : i64, tpu.core_type = #tpu.core_type<tc>, window_params = [{transform_indices = @transform_0, window_bounds = array<i64: 512, 1024>}, {transform_indices = @transform_1, window_bounds = array<i64: 512, 128>}, {transform_indices = @transform_2, window_bounds = array<i64: 1, 1024, 1024>}, {transform_indices = @transform_3, window_bounds = array<i64: 1, 1, 1024>}, {transform_indices = @transform_4, window_bounds = array<i64: 1, 1024, 1024>}, {transform_indices = @transform_5, window_bounds = array<i64: 1, 1, 1024>}, {transform_indices = @transform_6, window_bounds = array<i64: 512, 1024>}]} {
    %get3A = arith.constant 15 : index
    %get3A_0 = memref.load %arg1[%get3A] : memref<16xi32, #tpu.memory_space<smem>>
    %lt3A = arith.cmpi slt, %arg0, %get3A_0 : i32
    %convert_element_type3A = arith.extui %lt3A : i1 to i32
    %cond3A = arith.constant 0 : i32
    %cond3A_1 = arith.cmpi ne, %convert_element_type3A, %cond3A : i32
    scf.if %cond3A_1 {
      %get3A_2 = arith.constant 0 : index
      %get3A_3 = arith.constant 0 : index
      %get3A_4 = vector.load %arg2[%get3A_2, %get3A_3] : memref<512x1024xf32, #tpu.memory_space<vmem>>, vector<512x1024xf32>
      %get3A_5 = arith.constant 0 : index
      %get3A_6 = arith.constant 0 : index
      %get3A_7 = arith.constant 0 : index
      %get3A_8 = vector.load %arg4[%get3A_5, %get3A_6, %get3A_7] : memref<1x1024x1024xf32, #tpu.memory_space<vmem>>, vector<1x1024x1024xf32>
      %get3A_9 = vector.shape_cast %get3A_8 : vector<1x1024x1024xf32> to vector<1024x1024xf32>
      %dot_general3A = arith.constant dense<0.000000e+00> : vector<512x1024xf32>
      %dot_general3A_10 = tpu.matmul %get3A_4, %get3A_9, %dot_general3A {dimension_numbers = #tpu.dot_dimension_numbers<[1], [0], [0], [1], [0, 0, 1, 1], [], []>, transpose_lhs_hint = false} : vector<512x1024xf32>, vector<1024x1024xf32>, vector<512x1024xf32> -> vector<512x1024xf32>
      %get3A_11 = arith.constant 0 : index
      %get3A_12 = arith.constant 0 : index
      %get3A_13 = arith.constant 0 : index
      %get3A_14 = vector.load %arg5[%get3A_11, %get3A_12, %get3A_13] : memref<1x1x1024xf32, #tpu.memory_space<vmem>>, vector<1x1x1024xf32>
      %get3A_15 = vector.shape_cast %get3A_14 : vector<1x1x1024xf32> to vector<1x1024xf32>
      %add3A = vector.broadcast %get3A_15 : vector<1x1024xf32> to vector<512x1024xf32>
      %add3A_16 = arith.addf %dot_general3A_10, %add3A : vector<512x1024xf32>
      %max3A = arith.constant 0.000000e+00 : f32
      %max3A_17 = vector.broadcast %max3A : f32 to vector<512x1024xf32>
      %max3A_18 = arith.maximumf %add3A_16, %max3A_17 : vector<512x1024xf32>
      %get3A_19 = arith.constant 0 : index
      %get3A_20 = arith.constant 0 : index
      %get3A_21 = arith.constant 0 : index
      %get3A_22 = vector.load %arg6[%get3A_19, %get3A_20, %get3A_21] : memref<1x1024x1024xf32, #tpu.memory_space<vmem>>, vector<1x1024x1024xf32>
      %get3A_23 = vector.shape_cast %get3A_22 : vector<1x1024x1024xf32> to vector<1024x1024xf32>
      %dot_general3A_24 = arith.constant dense<0.000000e+00> : vector<512x1024xf32>
      %dot_general3A_25 = tpu.matmul %max3A_18, %get3A_23, %dot_general3A_24 {dimension_numbers = #tpu.dot_dimension_numbers<[1], [0], [0], [1], [0, 0, 1, 1], [], []>, transpose_lhs_hint = false} : vector<512x1024xf32>, vector<1024x1024xf32>, vector<512x1024xf32> -> vector<512x1024xf32>
      %get3A_26 = arith.constant 0 : index
      %get3A_27 = arith.constant 0 : index
      %get3A_28 = arith.constant 0 : index
      %get3A_29 = vector.load %arg7[%get3A_26, %get3A_27, %get3A_28] : memref<1x1x1024xf32, #tpu.memory_space<vmem>>, vector<1x1x1024xf32>
      %get3A_30 = vector.shape_cast %get3A_29 : vector<1x1x1024xf32> to vector<1x1024xf32>
      %add3A_31 = vector.broadcast %get3A_30 : vector<1x1024xf32> to vector<512x1024xf32>
      %add3A_32 = arith.addf %dot_general3A_25, %add3A_31 : vector<512x1024xf32>
      %get3A_33 = arith.constant 0 : index
      %get3A_34 = arith.constant 0 : index
      %get3A_35 = vector.load %arg3[%get3A_33, %get3A_34] : memref<512x128xf32, #tpu.memory_space<vmem>>, vector<512x1xf32>
      %mul3A = vector.broadcast %get3A_35 : vector<512x1xf32> to vector<512x1024xf32>
      %mul3A_36 = arith.mulf %add3A_32, %mul3A : vector<512x1024xf32>
      %swap3A = arith.constant 0 : index
      %swap3A_37 = arith.constant 0 : index
      %swap3A_38 = vector.load %arg8[%swap3A, %swap3A_37] : memref<512x1024xf32, #tpu.memory_space<vmem>>, vector<512x1024xf32>
      tpu.vector_store %arg8[%swap3A, %swap3A_37], %mul3A_36 {strides = array<i32>} : memref<512x1024xf32, #tpu.memory_space<vmem>>, vector<512x1024xf32>,
    } else {
    }
    return
  }
  func.func @transform_0(%arg0: i32, %arg1: memref<16xi32, #tpu.memory_space<smem>>) -> (i32, i32) {
    %get3A = arith.constant 15 : index
    %get3A_0 = memref.load %arg1[%get3A] : memref<16xi32, #tpu.memory_space<smem>>
    %lt3A = arith.cmpi slt, %arg0, %get3A_0 : i32
    %jit3A = arith.constant 0 : i32
    %select_n3A = arith.select %lt3A, %arg0, %jit3A : i32
    %c0_i32 = arith.constant 0 : i32
    %c0_i32_1 = arith.constant 0 : i32
    return %select_n3A, %c0_i32 : i32, i32
  }
  func.func @transform_1(%arg0: i32, %arg1: memref<16xi32, #tpu.memory_space<smem>>) -> (i32, i32) {
    %get3A = arith.constant 15 : index
    %get3A_0 = memref.load %arg1[%get3A] : memref<16xi32, #tpu.memory_space<smem>>
    %lt3A = arith.cmpi slt, %arg0, %get3A_0 : i32
    %jit3A = arith.constant 0 : i32
    %select_n3A = arith.select %lt3A, %arg0, %jit3A : i32
    %c0_i32 = arith.constant 0 : i32
    %c0_i32_1 = arith.constant 0 : i32
    return %select_n3A, %c0_i32 : i32, i32
  }
  func.func @transform_2(%arg0: i32, %arg1: memref<16xi32, #tpu.memory_space<smem>>) -> (i32, i32, i32) {
    %get3A = arith.constant 15 : index
    %get3A_0 = memref.load %arg1[%get3A] : memref<16xi32, #tpu.memory_space<smem>>
    %lt3A = arith.cmpi slt, %arg0, %get3A_0 : i32
    %get3A_1 = arith.constant 15 : index
    %get3A_2 = memref.load %arg1[%get3A_1] : memref<16xi32, #tpu.memory_space<smem>>
    %sub3A = arith.constant 1 : i32
    %sub3A_3 = arith.subi %get3A_2, %sub3A : i32
    %select_n3A = arith.select %lt3A, %arg0, %sub3A_3 : i32
    %get3A_4 = arith.index_cast %select_n3A : i32 to index
    %get3A_5 = memref.load %arg1[%get3A_4] : memref<16xi32, #tpu.memory_space<smem>>
    %c0_i32 = arith.constant 0 : i32
    %c0_i32_6 = arith.constant 0 : i32
    %c0_i32_7 = arith.constant 0 : i32
    return %get3A_5, %c0_i32, %c0_i32_6 : i32, i32, i32
  }
  func.func @transform_3(%arg0: i32, %arg1: memref<16xi32, #tpu.memory_space<smem>>) -> (i32, i32, i32) {
    %get3A = arith.constant 15 : index
    %get3A_0 = memref.load %arg1[%get3A] : memref<16xi32, #tpu.memory_space<smem>>
    %lt3A = arith.cmpi slt, %arg0, %get3A_0 : i32
    %get3A_1 = arith.constant 15 : index
    %get3A_2 = memref.load %arg1[%get3A_1] : memref<16xi32, #tpu.memory_space<smem>>
    %sub3A = arith.constant 1 : i32
    %sub3A_3 = arith.subi %get3A_2, %sub3A : i32
    %select_n3A = arith.select %lt3A, %arg0, %sub3A_3 : i32
    %get3A_4 = arith.index_cast %select_n3A : i32 to index
    %get3A_5 = memref.load %arg1[%get3A_4] : memref<16xi32, #tpu.memory_space<smem>>
    %c0_i32 = arith.constant 0 : i32
    %c0_i32_6 = arith.constant 0 : i32
    %c0_i32_7 = arith.constant 0 : i32
    return %get3A_5, %c0_i32, %c0_i32_6 : i32, i32, i32
  }
  func.func @transform_4(%arg0: i32, %arg1: memref<16xi32, #tpu.memory_space<smem>>) -> (i32, i32, i32) {
    %get3A = arith.constant 15 : index
    %get3A_0 = memref.load %arg1[%get3A] : memref<16xi32, #tpu.memory_space<smem>>
    %lt3A = arith.cmpi slt, %arg0, %get3A_0 : i32
    %get3A_1 = arith.constant 15 : index
    %get3A_2 = memref.load %arg1[%get3A_1] : memref<16xi32, #tpu.memory_space<smem>>
    %sub3A = arith.constant 1 : i32
    %sub3A_3 = arith.subi %get3A_2, %sub3A : i32
    %select_n3A = arith.select %lt3A, %arg0, %sub3A_3 : i32
    %get3A_4 = arith.index_cast %select_n3A : i32 to index
    %get3A_5 = memref.load %arg1[%get3A_4] : memref<16xi32, #tpu.memory_space<smem>>
    %c0_i32 = arith.constant 0 : i32
    %c0_i32_6 = arith.constant 0 : i32
    %c0_i32_7 = arith.constant 0 : i32
    return %get3A_5, %c0_i32, %c0_i32_6 : i32, i32, i32
  }
  func.func @transform_5(%arg0: i32, %arg1: memref<16xi32, #tpu.memory_space<smem>>) -> (i32, i32, i32) {
    %get3A = arith.constant 15 : index
    %get3A_0 = memref.load %arg1[%get3A] : memref<16xi32, #tpu.memory_space<smem>>
    %lt3A = arith.cmpi slt, %arg0, %get3A_0 : i32
    %get3A_1 = arith.constant 15 : index
    %get3A_2 = memref.load %arg1[%get3A_1] : memref<16xi32, #tpu.memory_space<smem>>
    %sub3A = arith.constant 1 : i32
    %sub3A_3 = arith.subi %get3A_2, %sub3A : i32
    %select_n3A = arith.select %lt3A, %arg0, %sub3A_3 : i32
    %get3A_4 = arith.index_cast %select_n3A : i32 to index
    %get3A_5 = memref.load %arg1[%get3A_4] : memref<16xi32, #tpu.memory_space<smem>>
    %c0_i32 = arith.constant 0 : i32
    %c0_i32_6 = arith.constant 0 : i32
    %c0_i32_7 = arith.constant 0 : i32
    return %get3A_5, %c0_i32, %c0_i32_6 : i32, i32, i32
  }
  func.func @transform_6(%arg0: i32, %arg1: memref<16xi32, #tpu.memory_space<smem>>) -> (i32, i32) {
    %c0_i32 = arith.constant 0 : i32
    %c0_i32_0 = arith.constant 0 : i32
    return %arg0, %c0_i32 : i32, i32
  }
}

module attributes {stable_mosaic.version = 14 : i64} {
  func.func @_router_body(%arg0: i32, %arg1: memref<512x128xf32, #tpu.memory_space<vmem>>, %arg2: memref<512x1024xf32, #tpu.memory_space<vmem>>, %arg3: memref<1152x8xf32, #tpu.memory_space<vmem>>, %arg4: memref<32x128xi32, #tpu.memory_space<vmem>>, %arg5: memref<4096x128xf32, #tpu.memory_space<vmem>>, %arg6: memref<8x128xi32, #tpu.memory_space<vmem>>, %arg7: memref<1x1xf32, #tpu.memory_space<vmem>>, %arg8: memref<1x1xf32, #tpu.memory_space<vmem>>, %arg9: memref<4096x8xf32, #tpu.memory_space<vmem>>, %arg10: memref<4096x8xf32, #tpu.memory_space<vmem>>, %arg11: memref<4096x8xf32, #tpu.memory_space<vmem>>, %arg12: memref<8x8xf32, #tpu.memory_space<vmem>>) attributes {dimension_semantics = [#tpu.dimension_semantics<arbitrary>], iteration_bounds = array<i64: 8>, scalar_prefetch = 0 : i64, scratch_operands = 4 : i64, tpu.core_type = #tpu.core_type<tc>, window_params = [{transform_indices = @transform_0, window_bounds = array<i64: 512, 128>}, {transform_indices = @transform_1, window_bounds = array<i64: 512, 1024>}, {pipeline_mode = #tpu.pipeline_mode<synchronous>, transform_indices = @transform_2, window_bounds = array<i64: 1152, 8>}, {pipeline_mode = #tpu.pipeline_mode<synchronous>, transform_indices = @transform_3, window_bounds = array<i64: 32, 128>}, {pipeline_mode = #tpu.pipeline_mode<synchronous>, transform_indices = @transform_4, window_bounds = array<i64: 4096, 128>}, {pipeline_mode = #tpu.pipeline_mode<synchronous>, transform_indices = @transform_5, window_bounds = array<i64: 8, 128>}, {pipeline_mode = #tpu.pipeline_mode<synchronous>, transform_indices = @transform_6, window_bounds = array<i64: 1, 1>}, {pipeline_mode = #tpu.pipeline_mode<synchronous>, transform_indices = @transform_7, window_bounds = array<i64: 1, 1>}]} {
    %get3A = arith.constant 0 : index
    %get3A_0 = arith.constant 0 : index
    %get3A_1 = vector.load %arg1[%get3A, %get3A_0] : memref<512x128xf32, #tpu.memory_space<vmem>>, vector<512x128xf32>
    %get3A_2 = arith.constant 0 : index
    %get3A_3 = arith.constant 0 : index
    %get3A_4 = vector.load %arg2[%get3A_2, %get3A_3] : memref<512x1024xf32, #tpu.memory_space<vmem>>, vector<512x1024xf32>
    %concatenate3A = tpu.concatenate %get3A_1, %get3A_4 in 1 : vector<512x128xf32>, vector<512x1024xf32> -> vector<512x1152xf32>
    %get3A_5 = arith.constant 0 : index
    %get3A_6 = arith.constant 0 : index
    %get3A_7 = vector.load %arg3[%get3A_5, %get3A_6] : memref<1152x8xf32, #tpu.memory_space<vmem>>, vector<1152x8xf32>
    %dot_general3A = arith.constant dense<0.000000e+00> : vector<512x8xf32>
    %dot_general3A_8 = tpu.matmul %concatenate3A, %get3A_7, %dot_general3A {dimension_numbers = #tpu.dot_dimension_numbers<[1], [0], [0], [1], [0, 0, 1, 1], [], []>, transpose_lhs_hint = false} : vector<512x1152xf32>, vector<1152x8xf32>, vector<512x8xf32> -> vector<512x8xf32>
    %reduce_max3A = arith.constant dense<0xFF800000> : vector<512xf32>
    %reduce_max3A_9 = vector.multi_reduction <maximumf>, %dot_general3A_8, %reduce_max3A [1] : vector<512x8xf32> to vector<512xf32>
    %broadcast_in_dim3A = vector.shape_cast %reduce_max3A_9 : vector<512xf32> to vector<512x1xf32>
    %sub3A = vector.broadcast %broadcast_in_dim3A : vector<512x1xf32> to vector<512x8xf32>
    %sub3A_10 = arith.subf %dot_general3A_8, %sub3A : vector<512x8xf32>
    %exp3A = math.exp %sub3A_10 : vector<512x8xf32>
    %reduce_sum3A = arith.constant dense<0.000000e+00> : vector<512xf32>
    %reduce_sum3A_11 = vector.multi_reduction <add>, %exp3A, %reduce_sum3A [1] : vector<512x8xf32> to vector<512xf32>
    %broadcast_in_dim3A_12 = vector.shape_cast %reduce_sum3A_11 : vector<512xf32> to vector<512x1xf32>
    %div3A = vector.broadcast %broadcast_in_dim3A_12 : vector<512x1xf32> to vector<512x8xf32>
    %div3A_13 = arith.divf %exp3A, %div3A : vector<512x8xf32>
    %mul3A = arith.constant 512 : i32
    %mul3A_14 = arith.muli %arg0, %mul3A : i32
    %swap3A = arith.index_cast %mul3A_14 : i32 to index
    %swap3A_15 = arith.constant 0 : index
    %swap3A_16 = vector.load %arg9[%swap3A, %swap3A_15] : memref<4096x8xf32, #tpu.memory_space<vmem>>, vector<512x8xf32>
    tpu.vector_store %arg9[%swap3A, %swap3A_15], %div3A_13 {strides = array<i32>} : memref<4096x8xf32, #tpu.memory_space<vmem>>, vector<512x8xf32>,
    %reduce_max3A_17 = arith.constant dense<0xFF800000> : vector<512xf32>
    %reduce_max3A_18 = vector.multi_reduction <maximumf>, %div3A_13, %reduce_max3A_17 [1] : vector<512x8xf32> to vector<512xf32>
    %broadcast_in_dim3A_19 = vector.shape_cast %reduce_max3A_18 : vector<512xf32> to vector<512x1xf32>
    %iota3A = tpu.iota {dimensions = array<i32: 1>} : vector<512x8xi32>
    %ge3A = vector.broadcast %broadcast_in_dim3A_19 : vector<512x1xf32> to vector<512x8xf32>
    %ge3A_20 = arith.cmpf oge, %div3A_13, %ge3A : vector<512x8xf32>
    %jit3A = arith.constant 8 : i32
    %broadcast_in_dim3A_21 = vector.broadcast %jit3A : i32 to vector<512x8xi32>
    %select_n3A = arith.select %ge3A_20, %iota3A, %broadcast_in_dim3A_21 : vector<512x8xi1>, vector<512x8xi32>
    %reduce_min3A = arith.constant dense<2147483647> : vector<512xi32>
    %reduce_min3A_22 = vector.multi_reduction <minsi>, %select_n3A, %reduce_min3A [1] : vector<512x8xi32> to vector<512xi32>
    %broadcast_in_dim3A_23 = vector.shape_cast %reduce_min3A_22 : vector<512xi32> to vector<512x1xi32>
    %eq3A = vector.broadcast %broadcast_in_dim3A_23 : vector<512x1xi32> to vector<512x8xi32>
    %eq3A_24 = arith.cmpi eq, %iota3A, %eq3A : vector<512x8xi32>
    %convert_element_type3A = arith.extui %eq3A_24 : vector<512x8xi1> to vector<512x8xi32>
    %convert_element_type3A_25 = arith.sitofp %convert_element_type3A : vector<512x8xi32> to vector<512x8xf32>
    %mul3A_26 = arith.constant 512 : i32
    %mul3A_27 = arith.muli %arg0, %mul3A_26 : i32
    %swap3A_28 = arith.index_cast %mul3A_27 : i32 to index
    %swap3A_29 = arith.constant 0 : index
    %swap3A_30 = vector.load %arg10[%swap3A_28, %swap3A_29] : memref<4096x8xf32, #tpu.memory_space<vmem>>, vector<512x8xf32>
    tpu.vector_store %arg10[%swap3A_28, %swap3A_29], %convert_element_type3A_25 {strides = array<i32>} : memref<4096x8xf32, #tpu.memory_space<vmem>>, vector<512x8xf32>,
    %eq3A_31 = arith.constant 0 : i32
    %eq3A_32 = arith.cmpi eq, %arg0, %eq3A_31 : i32
    %convert_element_type3A_33 = arith.extui %eq3A_32 : i1 to i32
    %cond3A = arith.constant 0 : i32
    %cond3A_34 = arith.cmpi ne, %convert_element_type3A_33, %cond3A : i32
    scf.if %cond3A_34 {
      %broadcast_in_dim3A_65 = arith.constant 0.000000e+00 : f32
      %broadcast_in_dim3A_66 = vector.broadcast %broadcast_in_dim3A_65 : f32 to vector<8x8xf32>
      %swap3A_67 = arith.constant 0 : index
      %swap3A_68 = arith.constant 0 : index
      %swap3A_69 = vector.load %arg12[%swap3A_67, %swap3A_68] : memref<8x8xf32, #tpu.memory_space<vmem>>, vector<8x8xf32>
      tpu.vector_store %arg12[%swap3A_67, %swap3A_68], %broadcast_in_dim3A_66 {strides = array<i32>} : memref<8x8xf32, #tpu.memory_space<vmem>>, vector<8x8xf32>,
    } else {
    }
    %iota3A_35 = tpu.iota {dimensions = array<i32: 0>} : vector<512x512xi32>
    %iota3A_36 = tpu.iota {dimensions = array<i32: 1>} : vector<512x512xi32>
    %lt3A = arith.cmpi slt, %iota3A_36, %iota3A_35 : vector<512x512xi32>
    %convert_element_type3A_37 = arith.extui %lt3A : vector<512x512xi1> to vector<512x512xi32>
    %convert_element_type3A_38 = arith.sitofp %convert_element_type3A_37 : vector<512x512xi32> to vector<512x512xf32>
    %dot_general3A_39 = arith.constant dense<0.000000e+00> : vector<512x8xf32>
    %dot_general3A_40 = tpu.matmul %convert_element_type3A_38, %convert_element_type3A_25, %dot_general3A_39 {dimension_numbers = #tpu.dot_dimension_numbers<[1], [0], [0], [1], [0, 0, 1, 1], [], []>, transpose_lhs_hint = false} : vector<512x512xf32>, vector<512x8xf32>, vector<512x8xf32> -> vector<512x8xf32>
    %get3A_41 = arith.constant 0 : index
    %get3A_42 = arith.constant 0 : index
    %get3A_43 = vector.load %arg12[%get3A_41, %get3A_42] : memref<8x8xf32, #tpu.memory_space<vmem>>, vector<1x8xf32>
    %add3A = vector.broadcast %get3A_43 : vector<1x8xf32> to vector<512x8xf32>
    %add3A_44 = arith.addf %add3A, %dot_general3A_40 : vector<512x8xf32>
    %mul3A_45 = arith.constant 512 : i32
    %mul3A_46 = arith.muli %arg0, %mul3A_45 : i32
    %swap3A_47 = arith.index_cast %mul3A_46 : i32 to index
    %swap3A_48 = arith.constant 0 : index
    %swap3A_49 = vector.load %arg11[%swap3A_47, %swap3A_48] : memref<4096x8xf32, #tpu.memory_space<vmem>>, vector<512x8xf32>
    tpu.vector_store %arg11[%swap3A_47, %swap3A_48], %add3A_44 {strides = array<i32>} : memref<4096x8xf32, #tpu.memory_space<vmem>>, vector<512x8xf32>,
    %get3A_50 = arith.constant 0 : index
    %get3A_51 = arith.constant 0 : index
    %get3A_52 = vector.load %arg12[%get3A_50, %get3A_51] : memref<8x8xf32, #tpu.memory_space<vmem>>, vector<1x8xf32>
    %reduce_sum3A_53 = arith.constant dense<0.000000e+00> : vector<8xf32>
    %reduce_sum3A_54 = vector.multi_reduction <add>, %convert_element_type3A_25, %reduce_sum3A_53 [0] : vector<512x8xf32> to vector<8xf32>
    %broadcast_in_dim3A_55 = vector.shape_cast %reduce_sum3A_54 : vector<8xf32> to vector<1x8xf32>
    %add3A_56 = arith.addf %get3A_52, %broadcast_in_dim3A_55 : vector<1x8xf32>
    %swap3A_57 = arith.constant 0 : index
    %swap3A_58 = arith.constant 0 : index
    %swap3A_59 = vector.load %arg12[%swap3A_57, %swap3A_58] : memref<8x8xf32, #tpu.memory_space<vmem>>, vector<1x8xf32>
    tpu.vector_store %arg12[%swap3A_57, %swap3A_58], %add3A_56 {strides = array<i32>} : memref<8x8xf32, #tpu.memory_space<vmem>>, vector<1x8xf32>,
    %eq3A_60 = arith.constant 7 : i32
    %eq3A_61 = arith.cmpi eq, %arg0, %eq3A_60 : i32
    %convert_element_type3A_62 = arith.extui %eq3A_61 : i1 to i32
    %cond3A_63 = arith.constant 0 : i32
    %cond3A_64 = arith.cmpi ne, %convert_element_type3A_62, %cond3A_63 : i32
    scf.if %cond3A_64 {
      %get3A_65 = arith.constant 0 : index
      %get3A_66 = arith.constant 0 : index
      %get3A_67 = vector.load %arg9[%get3A_65, %get3A_66] : memref<4096x8xf32, #tpu.memory_space<vmem>>, vector<4096x8xf32>
      %get3A_68 = arith.constant 0 : index
      %get3A_69 = arith.constant 0 : index
      %get3A_70 = vector.load %arg10[%get3A_68, %get3A_69] : memref<4096x8xf32, #tpu.memory_space<vmem>>, vector<4096x8xf32>
      %get3A_71 = arith.constant 0 : index
      %get3A_72 = arith.constant 0 : index
      %get3A_73 = vector.load %arg12[%get3A_71, %get3A_72] : memref<8x8xf32, #tpu.memory_space<vmem>>, vector<1x8xf32>
      %div3A_74 = arith.constant 5.120000e+02 : f32
      %div3A_75 = vector.broadcast %div3A_74 : f32 to vector<1x8xf32>
      %div3A_76 = arith.divf %get3A_73, %div3A_75 : vector<1x8xf32>
      %ceil3A = math.ceil %div3A_76 : vector<1x8xf32>
      %mul3A_77 = arith.constant 5.120000e+02 : f32
      %mul3A_78 = vector.broadcast %mul3A_77 : f32 to vector<1x8xf32>
      %mul3A_79 = arith.mulf %ceil3A, %mul3A_78 : vector<1x8xf32>
      %iota3A_80 = tpu.iota {dimensions = array<i32: 0>} : vector<8x8xi32>
      %iota3A_81 = tpu.iota {dimensions = array<i32: 1>} : vector<8x8xi32>
      %lt3A_82 = arith.cmpi slt, %iota3A_80, %iota3A_81 : vector<8x8xi32>
      %convert_element_type3A_83 = arith.extui %lt3A_82 : vector<8x8xi1> to vector<8x8xi32>
      %convert_element_type3A_84 = arith.sitofp %convert_element_type3A_83 : vector<8x8xi32> to vector<8x8xf32>
      %dot_general3A_85 = arith.constant dense<0.000000e+00> : vector<1x8xf32>
      %dot_general3A_86 = tpu.matmul %mul3A_79, %convert_element_type3A_84, %dot_general3A_85 {dimension_numbers = #tpu.dot_dimension_numbers<[1], [0], [0], [1], [0, 0, 1, 1], [], []>, precision = #tpu.contract_precision<fp32>, transpose_lhs_hint = false} : vector<1x8xf32>, vector<8x8xf32>, vector<1x8xf32> -> vector<1x8xf32>
      %get3A_87 = arith.constant 0 : index
      %get3A_88 = arith.constant 0 : index
      %get3A_89 = vector.load %arg11[%get3A_87, %get3A_88] : memref<4096x8xf32, #tpu.memory_space<vmem>>, vector<4096x8xf32>
      %add3A_90 = vector.broadcast %dot_general3A_86 : vector<1x8xf32> to vector<4096x8xf32>
      %add3A_91 = arith.addf %get3A_89, %add3A_90 : vector<4096x8xf32>
      %mul3A_92 = arith.mulf %add3A_91, %get3A_70 : vector<4096x8xf32>
      %reduce_sum3A_93 = arith.constant dense<0.000000e+00> : vector<4096xf32>
      %reduce_sum3A_94 = vector.multi_reduction <add>, %mul3A_92, %reduce_sum3A_93 [1] : vector<4096x8xf32> to vector<4096xf32>
      %broadcast_in_dim3A_95 = vector.shape_cast %reduce_sum3A_94 : vector<4096xf32> to vector<4096x1xf32>
      %reduce_max3A_96 = arith.constant dense<0xFF800000> : vector<4096xf32>
      %reduce_max3A_97 = vector.multi_reduction <maximumf>, %get3A_67, %reduce_max3A_96 [1] : vector<4096x8xf32> to vector<4096xf32>
      %broadcast_in_dim3A_98 = vector.shape_cast %reduce_max3A_97 : vector<4096xf32> to vector<4096x1xf32>
      %iota3A_99 = tpu.iota {dimensions = array<i32: 1>} : vector<32x4096xi32>
      %iota3A_100 = tpu.iota {dimensions = array<i32: 0>} : vector<32x4096xi32>
      %jit3A_101 = arith.constant 128 : i32
      %div3A_102 = vector.broadcast %jit3A_101 : i32 to vector<32x4096xi32>
      %div3A_103 = arith.divsi %iota3A_99, %div3A_102 : vector<32x4096xi32>
      %sign3A = arith.constant 0 : i32
      %sign3A_104 = vector.broadcast %sign3A : i32 to vector<32x4096xi32>
      %sign3A_105 = arith.cmpi sgt, %iota3A_99, %sign3A_104 : vector<32x4096xi32>
      %sign3A_106 = arith.extui %sign3A_105 : vector<32x4096xi1> to vector<32x4096xi32>
      %sign3A_107 = arith.constant 0 : i32
      %sign3A_108 = vector.broadcast %sign3A_107 : i32 to vector<32x4096xi32>
      %sign3A_109 = arith.cmpi slt, %iota3A_99, %sign3A_108 : vector<32x4096xi32>
      %sign3A_110 = arith.extui %sign3A_109 : vector<32x4096xi1> to vector<32x4096xi32>
      %sign3A_111 = arith.subi %sign3A_106, %sign3A_110 : vector<32x4096xi32>
      %sign3A_112 = arith.constant 0 : i32
      %sign3A_113 = arith.cmpi sgt, %jit3A_101, %sign3A_112 : i32
      %sign3A_114 = arith.extui %sign3A_113 : i1 to i32
      %sign3A_115 = arith.constant 0 : i32
      %sign3A_116 = arith.cmpi slt, %jit3A_101, %sign3A_115 : i32
      %sign3A_117 = arith.extui %sign3A_116 : i1 to i32
      %sign3A_118 = arith.subi %sign3A_114, %sign3A_117 : i32
      %ne3A = vector.broadcast %sign3A_118 : i32 to vector<32x4096xi32>
      %ne3A_119 = arith.cmpi ne, %sign3A_111, %ne3A : vector<32x4096xi32>
      %rem3A = vector.broadcast %jit3A_101 : i32 to vector<32x4096xi32>
      %rem3A_120 = arith.remsi %iota3A_99, %rem3A : vector<32x4096xi32>
      %ne3A_121 = arith.constant 0 : i32
      %ne3A_122 = vector.broadcast %ne3A_121 : i32 to vector<32x4096xi32>
      %ne3A_123 = arith.cmpi ne, %rem3A_120, %ne3A_122 : vector<32x4096xi32>
      %and3A = arith.andi %ne3A_119, %ne3A_123 : vector<32x4096xi1>
      %sub3A_124 = arith.constant 1 : i32
      %sub3A_125 = vector.broadcast %sub3A_124 : i32 to vector<32x4096xi32>
      %sub3A_126 = arith.subi %div3A_103, %sub3A_125 : vector<32x4096xi32>
      %select_n3A_127 = arith.select %and3A, %sub3A_126, %div3A_103 : vector<32x4096xi1>, vector<32x4096xi32>
      %eq3A_128 = arith.cmpi eq, %select_n3A_127, %iota3A_100 : vector<32x4096xi32>
      %convert_element_type3A_129 = arith.extui %eq3A_128 : vector<32x4096xi1> to vector<32x4096xi32>
      %convert_element_type3A_130 = arith.sitofp %convert_element_type3A_129 : vector<32x4096xi32> to vector<32x4096xf32>
      %iota3A_131 = tpu.iota {dimensions = array<i32: 0>} : vector<4096x128xi32>
      %iota3A_132 = tpu.iota {dimensions = array<i32: 1>} : vector<4096x128xi32>
      %jit3A_133 = arith.constant 128 : i32
      %eq3A_134 = arith.constant 0 : i32
      %eq3A_135 = arith.cmpi eq, %jit3A_133, %eq3A_134 : i32
      %jit3A_136 = arith.constant 1 : i32
      %select_n3A_137 = arith.select %eq3A_135, %jit3A_136, %jit3A_133 : i32
      %rem3A_138 = vector.broadcast %select_n3A_137 : i32 to vector<4096x128xi32>
      %rem3A_139 = arith.remsi %iota3A_131, %rem3A_138 : vector<4096x128xi32>
      %ne3A_140 = arith.constant 0 : i32
      %ne3A_141 = vector.broadcast %ne3A_140 : i32 to vector<4096x128xi32>
      %ne3A_142 = arith.cmpi ne, %rem3A_139, %ne3A_141 : vector<4096x128xi32>
      %lt3A_143 = arith.constant 0 : i32
      %lt3A_144 = vector.broadcast %lt3A_143 : i32 to vector<4096x128xi32>
      %lt3A_145 = arith.cmpi slt, %rem3A_139, %lt3A_144 : vector<4096x128xi32>
      %lt3A_146 = arith.constant 0 : i32
      %lt3A_147 = arith.cmpi slt, %select_n3A_137, %lt3A_146 : i32
      %ne3A_148 = vector.broadcast %lt3A_147 : i1 to vector<4096x128xi1>
      %ne3A_149 = vector.broadcast %ne3A_148 : vector<4096x128xi1> to vector<4096x128xi1>
      %ne3A_150 = arith.xori %lt3A_145, %ne3A_149 : vector<4096x128xi1>
      %and3A_151 = arith.andi %ne3A_150, %ne3A_142 : vector<4096x128xi1>
      %add3A_152 = vector.broadcast %select_n3A_137 : i32 to vector<4096x128xi32>
      %add3A_153 = arith.addi %rem3A_139, %add3A_152 : vector<4096x128xi32>
      %select_n3A_154 = arith.select %and3A_151, %add3A_153, %rem3A_139 : vector<4096x128xi1>, vector<4096x128xi32>
      %eq3A_155 = arith.cmpi eq, %select_n3A_154, %iota3A_132 : vector<4096x128xi32>
      %convert_element_type3A_156 = arith.extui %eq3A_155 : vector<4096x128xi1> to vector<4096x128xi32>
      %convert_element_type3A_157 = arith.sitofp %convert_element_type3A_156 : vector<4096x128xi32> to vector<4096x128xf32>
      %mul3A_158 = vector.broadcast %broadcast_in_dim3A_95 : vector<4096x1xf32> to vector<4096x128xf32>
      %mul3A_159 = arith.mulf %mul3A_158, %convert_element_type3A_157 : vector<4096x128xf32>
      %dot_general3A_160 = arith.constant dense<0.000000e+00> : vector<32x128xf32>
      %dot_general3A_161 = tpu.matmul %convert_element_type3A_130, %mul3A_159, %dot_general3A_160 {dimension_numbers = #tpu.dot_dimension_numbers<[1], [0], [0], [1], [0, 0, 1, 1], [], []>, precision = #tpu.contract_precision<fp32>, transpose_lhs_hint = false} : vector<32x4096xf32>, vector<4096x128xf32>, vector<32x128xf32> -> vector<32x128xf32>
      %add3A_162 = arith.constant 5.000000e-01 : f32
      %add3A_163 = vector.broadcast %add3A_162 : f32 to vector<32x128xf32>
      %add3A_164 = arith.addf %dot_general3A_161, %add3A_163 : vector<32x128xf32>
      %convert_element_type3A_165 = arith.fptosi %add3A_164 : vector<32x128xf32> to vector<32x128xi32>
      %swap3A_166 = arith.constant 0 : index
      %swap3A_167 = arith.constant 0 : index
      %swap3A_168 = vector.load %arg4[%swap3A_166, %swap3A_167] : memref<32x128xi32, #tpu.memory_space<vmem>>, vector<32x128xi32>
      tpu.vector_store %arg4[%swap3A_166, %swap3A_167], %convert_element_type3A_165 {strides = array<i32>} : memref<32x128xi32, #tpu.memory_space<vmem>>, vector<32x128xi32>,
      %broadcast_in_dim3A_169 = vector.shape_cast %broadcast_in_dim3A_98 : vector<4096x1xf32> to vector<4096x1xf32>
      %broadcast_in_dim3A_170 = vector.broadcast %broadcast_in_dim3A_169 : vector<4096x1xf32> to vector<4096x128xf32>
      %swap3A_171 = arith.constant 0 : index
      %swap3A_172 = arith.constant 0 : index
      %swap3A_173 = vector.load %arg5[%swap3A_171, %swap3A_172] : memref<4096x128xf32, #tpu.memory_space<vmem>>, vector<4096x128xf32>
      tpu.vector_store %arg5[%swap3A_171, %swap3A_172], %broadcast_in_dim3A_170 {strides = array<i32>} : memref<4096x128xf32, #tpu.memory_space<vmem>>, vector<4096x128xf32>,
      %iota3A_174 = tpu.iota {dimensions = array<i32: 0>} : vector<8x8xi32>
      %iota3A_175 = tpu.iota {dimensions = array<i32: 1>} : vector<8x8xi32>
      %eq3A_176 = arith.cmpi eq, %iota3A_174, %iota3A_175 : vector<8x8xi32>
      %convert_element_type3A_177 = arith.extui %eq3A_176 : vector<8x8xi1> to vector<8x8xi32>
      %convert_element_type3A_178 = arith.sitofp %convert_element_type3A_177 : vector<8x8xi32> to vector<8x8xf32>
      %dot_general3A_179 = arith.constant dense<0.000000e+00> : vector<8x1xf32>
      %dot_general3A_180 = tpu.matmul %convert_element_type3A_178, %dot_general3A_86, %dot_general3A_179 {dimension_numbers = #tpu.dot_dimension_numbers<[1], [1], [0], [0], [0, 0, 1, 0], [], []>, precision = #tpu.contract_precision<fp32>, transpose_lhs_hint = false} : vector<8x8xf32>, vector<1x8xf32>, vector<8x1xf32> -> vector<8x1xf32>
      %broadcast_in_dim3A_181 = vector.shape_cast %dot_general3A_180 : vector<8x1xf32> to vector<8x1xf32>
      %broadcast_in_dim3A_182 = vector.broadcast %broadcast_in_dim3A_181 : vector<8x1xf32> to vector<8x128xf32>
      %iota3A_183 = tpu.iota {dimensions = array<i32: 1>} : vector<8x128xi32>
      %convert_element_type3A_184 = arith.sitofp %iota3A_183 : vector<8x128xi32> to vector<8x128xf32>
      %mul3A_185 = arith.constant 5.120000e+02 : f32
      %mul3A_186 = vector.broadcast %mul3A_185 : f32 to vector<8x128xf32>
      %mul3A_187 = arith.mulf %convert_element_type3A_184, %mul3A_186 : vector<8x128xf32>
      %le3A = arith.cmpf ole, %broadcast_in_dim3A_182, %mul3A_187 : vector<8x128xf32>
      %convert_element_type3A_188 = arith.extui %le3A : vector<8x128xi1> to vector<8x128xi32>
      %convert_element_type3A_189 = arith.sitofp %convert_element_type3A_188 : vector<8x128xi32> to vector<8x128xf32>
      %reduce_sum3A_190 = arith.constant dense<0.000000e+00> : vector<128xf32>
      %reduce_sum3A_191 = vector.multi_reduction <add>, %convert_element_type3A_189, %reduce_sum3A_190 [0] : vector<8x128xf32> to vector<128xf32>
      %broadcast_in_dim3A_192 = vector.shape_cast %reduce_sum3A_191 : vector<128xf32> to vector<1x128xf32>
      %sub3A_193 = arith.constant 1.000000e+00 : f32
      %sub3A_194 = vector.broadcast %sub3A_193 : f32 to vector<1x128xf32>
      %sub3A_195 = arith.subf %broadcast_in_dim3A_192, %sub3A_194 : vector<1x128xf32>
      %reduce_sum3A_196 = vector.shape_cast %mul3A_79 : vector<1x8xf32> to vector<1x1x8xf32>
      %reduce_sum3A_197 = arith.constant dense<0.000000e+00> : vector<1xf32>
      %reduce_sum3A_198 = vector.multi_reduction <add>, %reduce_sum3A_196, %reduce_sum3A_197 [1, 2] : vector<1x1x8xf32> to vector<1xf32>
      %reduce_sum3A_199 = vector.shape_cast %reduce_sum3A_198 : vector<1xf32> to vector<1x1x1xf32>
      %reduce_sum3A_200 = vector.extract %reduce_sum3A_199[0, 0, 0] : f32 from vector<1x1x1xf32>
      %div3A_201 = arith.constant 5.120000e+02 : f32
      %div3A_202 = arith.divf %reduce_sum3A_200, %div3A_201 : f32
      %iota3A_203 = tpu.iota {dimensions = array<i32: 1>} : vector<1x128xi32>
      %eq3A_204 = arith.constant 15 : i32
      %eq3A_205 = vector.broadcast %eq3A_204 : i32 to vector<1x128xi32>
      %eq3A_206 = arith.cmpi eq, %iota3A_203, %eq3A_205 : vector<1x128xi32>
      %broadcast_in_dim3A_207 = vector.broadcast %div3A_202 : f32 to vector<1x128xf32>
      %select_n3A_208 = arith.select %eq3A_206, %broadcast_in_dim3A_207, %sub3A_195 : vector<1x128xi1>, vector<1x128xf32>
      %broadcast_in_dim3A_209 = vector.shape_cast %select_n3A_208 : vector<1x128xf32> to vector<1x128xf32>
      %broadcast_in_dim3A_210 = vector.broadcast %broadcast_in_dim3A_209 : vector<1x128xf32> to vector<8x128xf32>
      %convert_element_type3A_211 = arith.fptosi %broadcast_in_dim3A_210 : vector<8x128xf32> to vector<8x128xi32>
      %swap3A_212 = arith.constant 0 : index
      %swap3A_213 = arith.constant 0 : index
      %swap3A_214 = vector.load %arg6[%swap3A_212, %swap3A_213] : memref<8x128xi32, #tpu.memory_space<vmem>>, vector<8x128xi32>
      tpu.vector_store %arg6[%swap3A_212, %swap3A_213], %convert_element_type3A_211 {strides = array<i32>} : memref<8x128xi32, #tpu.memory_space<vmem>>, vector<8x128xi32>,
      %reduce_sum3A_215 = vector.shape_cast %get3A_67 : vector<4096x8xf32> to vector<1x4096x8xf32>
      %reduce_sum3A_216 = arith.constant dense<0.000000e+00> : vector<1xf32>
      %reduce_sum3A_217 = vector.multi_reduction <add>, %reduce_sum3A_215, %reduce_sum3A_216 [1, 2] : vector<1x4096x8xf32> to vector<1xf32>
      %reduce_sum3A_218 = vector.shape_cast %reduce_sum3A_217 : vector<1xf32> to vector<1x1x1xf32>
      %reduce_sum3A_219 = vector.extract %reduce_sum3A_218[0, 0, 0] : f32 from vector<1x1x1xf32>
      %div3A_220 = arith.constant 4.096000e+03 : f32
      %div3A_221 = arith.divf %reduce_sum3A_219, %div3A_220 : f32
      %reshape3A = vector.broadcast %div3A_221 : f32 to vector<1x1xf32>
      %swap3A_222 = arith.constant 0 : index
      %swap3A_223 = arith.constant 0 : index
      %swap3A_224 = vector.load %arg7[%swap3A_222, %swap3A_223] : memref<1x1xf32, #tpu.memory_space<vmem>>, vector<1x1xf32>
      tpu.vector_store %arg7[%swap3A_222, %swap3A_223], %reshape3A {strides = array<i32>} : memref<1x1xf32, #tpu.memory_space<vmem>>, vector<1x1xf32>,
      %reduce_sum3A_225 = arith.constant dense<0.000000e+00> : vector<8xf32>
      %reduce_sum3A_226 = vector.multi_reduction <add>, %get3A_67, %reduce_sum3A_225 [0] : vector<4096x8xf32> to vector<8xf32>
      %broadcast_in_dim3A_227 = vector.shape_cast %reduce_sum3A_226 : vector<8xf32> to vector<1x8xf32>
      %reduce_sum3A_228 = vector.shape_cast %broadcast_in_dim3A_227 : vector<1x8xf32> to vector<1x1x8xf32>
      %reduce_sum3A_229 = arith.constant dense<0.000000e+00> : vector<1xf32>
      %reduce_sum3A_230 = vector.multi_reduction <add>, %reduce_sum3A_228, %reduce_sum3A_229 [1, 2] : vector<1x1x8xf32> to vector<1xf32>
      %reduce_sum3A_231 = vector.shape_cast %reduce_sum3A_230 : vector<1xf32> to vector<1x1x1xf32>
      %reduce_sum3A_232 = vector.extract %reduce_sum3A_231[0, 0, 0] : f32 from vector<1x1x1xf32>
      %div3A_233 = arith.constant 8.000000e+00 : f32
      %div3A_234 = arith.divf %reduce_sum3A_232, %div3A_233 : f32
      %sub3A_235 = vector.broadcast %div3A_234 : f32 to vector<1x8xf32>
      %sub3A_236 = arith.subf %broadcast_in_dim3A_227, %sub3A_235 : vector<1x8xf32>
      %integer_pow3A = arith.mulf %sub3A_236, %sub3A_236 : vector<1x8xf32>
      %reduce_sum3A_237 = vector.shape_cast %integer_pow3A : vector<1x8xf32> to vector<1x1x8xf32>
      %reduce_sum3A_238 = arith.constant dense<0.000000e+00> : vector<1xf32>
      %reduce_sum3A_239 = vector.multi_reduction <add>, %reduce_sum3A_237, %reduce_sum3A_238 [1, 2] : vector<1x1x8xf32> to vector<1xf32>
      %reduce_sum3A_240 = vector.shape_cast %reduce_sum3A_239 : vector<1xf32> to vector<1x1x1xf32>
      %reduce_sum3A_241 = vector.extract %reduce_sum3A_240[0, 0, 0] : f32 from vector<1x1x1xf32>
      %div3A_242 = arith.constant 8.000000e+00 : f32
      %div3A_243 = arith.divf %reduce_sum3A_241, %div3A_242 : f32
      %mul3A_244 = arith.mulf %div3A_234, %div3A_234 : f32
      %add3A_245 = arith.constant 1.000000e-10 : f32
      %add3A_246 = arith.addf %mul3A_244, %add3A_245 : f32
      %div3A_247 = arith.divf %div3A_243, %add3A_246 : f32
      %reshape3A_248 = vector.broadcast %div3A_247 : f32 to vector<1x1xf32>
      %swap3A_249 = arith.constant 0 : index
      %swap3A_250 = arith.constant 0 : index
      %swap3A_251 = vector.load %arg8[%swap3A_249, %swap3A_250] : memref<1x1xf32, #tpu.memory_space<vmem>>, vector<1x1xf32>
      tpu.vector_store %arg8[%swap3A_249, %swap3A_250], %reshape3A_248 {strides = array<i32>} : memref<1x1xf32, #tpu.memory_space<vmem>>, vector<1x1xf32>,
    } else {
    }
    return
  }
  func.func @transform_0(%arg0: i32) -> (i32, i32) {
    %c0_i32 = arith.constant 0 : i32
    %c0_i32_0 = arith.constant 0 : i32
    return %arg0, %c0_i32 : i32, i32
  }
  func.func @transform_1(%arg0: i32) -> (i32, i32) {
    %c0_i32 = arith.constant 0 : i32
    %c0_i32_0 = arith.constant 0 : i32
    return %arg0, %c0_i32 : i32, i32
  }
  func.func @transform_2(%arg0: i32) -> (i32, i32) {
    %c0_i32 = arith.constant 0 : i32
    %c0_i32_0 = arith.constant 0 : i32
    %c0_i32_1 = arith.constant 0 : i32
    return %c0_i32, %c0_i32_0 : i32, i32
  }
  func.func @transform_3(%arg0: i32) -> (i32, i32) {
    %c0_i32 = arith.constant 0 : i32
    %c0_i32_0 = arith.constant 0 : i32
    %c0_i32_1 = arith.constant 0 : i32
    return %c0_i32, %c0_i32_0 : i32, i32
  }
  func.func @transform_4(%arg0: i32) -> (i32, i32) {
    %c0_i32 = arith.constant 0 : i32
    %c0_i32_0 = arith.constant 0 : i32
    %c0_i32_1 = arith.constant 0 : i32
    return %c0_i32, %c0_i32_0 : i32, i32
  }
  func.func @transform_5(%arg0: i32) -> (i32, i32) {
    %c0_i32 = arith.constant 0 : i32
    %c0_i32_0 = arith.constant 0 : i32
    %c0_i32_1 = arith.constant 0 : i32
    return %c0_i32, %c0_i32_0 : i32, i32
  }
  func.func @transform_6(%arg0: i32) -> (i32, i32) {
    %c0_i32 = arith.constant 0 : i32
    %c0_i32_0 = arith.constant 0 : i32
    %c0_i32_1 = arith.constant 0 : i32
    return %c0_i32, %c0_i32_0 : i32, i32
  }
  func.func @transform_7(%arg0: i32) -> (i32, i32) {
    %c0_i32 = arith.constant 0 : i32
    %c0_i32_0 = arith.constant 0 : i32
    %c0_i32_1 = arith.constant 0 : i32
    return %c0_i32, %c0_i32_0 : i32, i32
  }
}

</mosaic_0001>

<sc_bundles>
// kernel: kernel.6.cloned.1.call-start
scs
__scs_entry_jumppad:
0x0: {  	(pc) =	sbr.rel $0x88, $3  }
0x1: {  	(tag) =	ssettag $0x0;
	lr =	simm.s32 $0x1  }
0x2: {  	[smem:$0x3F9A] =	sst lr;
	_ =	strace $0xD0000000  }
0x3: {  	_ = 	snop  }
0x4: {  	_ = 	snop  }
0x5: {  	_ = 	snop  }
0x6: {  	_ = 	snop  }
0x7: {  	_ = 	snop  }
__scs_overlays_trampoline_lowered:
0x8: {  	[smem:$0x3FA9] =	sst s0  }
0x9: {  	[smem:$0x3FAA] =	sst s1  }
0xa: {  	[smem:$0x3FAB] =	sst s2  }
0xb: {  	[smem:$0x3FAC] =	sst s3  }
0xc: {  	[smem:$0x3FAD] =	sst s4  }
0xd: {  	[smem:$0x3FAE] =	sst s5  }
0xe: {  	[smem:$0x3FAF] =	sst s6  }
0xf: {  	[smem:$0x3FB0] =	sst s7  }
0x10: {  	[smem:$0x3FB1] =	sst s8  }
0x11: {  	[smem:$0x3FB2] =	sst s9;
	s0 =	simm.s32 @!p0 $0x0  }
0x12: {  	s1 =	sld [smem:$0x3F98];
	s0 =	simm.s32 @p0 $0x1  }
0x13: {  	[smem:$0x3FB3] =	sst s0;
	s0 =	simm.s32 @!p1 $0x0  }
0x14: {  	s2 =	sld [smem:$0x3F97];
	s0 =	simm.s32 @p1 $0x1  }
0x15: {  	[smem:$0x3FB4] =	sst s0;
	s0 =	simm.s32 @!p2 $0x0  }
0x16: {  	s3 =	sld [smem:$0x3FDB];
	s0 =	simm.s32 @p2 $0x1  }
0x17: {  	s4 =	simm.s32 $0x1BF5;
	[smem:$0x3FB6] =	sst s0  }
0x18: {  	s0 =	sld [smem:$0x3F99];
	_ =	swait.ge [sflag:s4], $0x0  }
0x19: {  	s7 =	sld [smem:$0x3F9A]  }
0x1a: {  	s8 =	sadd.s32 $0xFFFFE003, lr  }
0x1b: {  	s9 =	sadd.s32 $0xFFFFFEF7, lr;
	s5 =	simm.s32 $0xFFFFFFFF;
	p2 =	slt.u32 s8, $0xFFFFF086  }
0x1c: {  	p1 =	slt.u32 s9, $0xF7A;
	s5 =	simm.s32 @!p2 $0x0  }
0x1d: {  	s5 =	simm.s32 @p1 $0x1;
	p0 =	seq.s32 s7, s2  }
0x1e: {  	s7 =	smul.u32 @!p0 $0xF7A, s2;
	p2 =	seq.s32 @!p0 s5, $0x0  }
0x1f: {  	s9 =	smul.u32 $0xF7A, s1;
	s8 =	simm.s32 @!p0 $0x1BF5;
	p2 =	por !p2, p0  }
0x20: {  	[sflag:s8] =	ssyncset.s32 @!p0 $0xFFFFF086;
	s6 =	sadd.s32 @!p0 s3, s7;
	s7 =	simm.s32 @!p0 $0x108  }
0x21: {  	s3 =	sadd.s32 s3, s9;
	s6 =	sadd.s32 @!p0 $0x88, s6;
	s7 =	simm.s32 @p2 $0x1082  }
0x22: {  	[simem:s7], [sflag:s8] =	dma.local @!p0 [hbm:s6], $0xF7A  }
0x23: {  	s9 =	sor.u32 $0xD0000000, s2;
	s6 =	simm.s32 $0x108;
	_ =	swait.ge @!p0 [sflag:s8], $0x0  }
0x24: {  	s3 =	sadd.s32 $0x88, s3;
	s6 =	simm.s32 @!p1 $0x1082;
	[sflag:s4] =	ssyncset.s32 $0xFFFFF086  }
0x25: {  	[simem:s6], [sflag:s4] =	dma.local [hbm:s3], $0xF7A  }
0x26: {  	[smem:$0x3F9A] =	sst s1;
	(tag) =	ssettag s2;
	_ =	strace s9  }
0x27: {  	s1 =	sld [smem:$0x3FAA]  }
0x28: {  	s2 =	sld [smem:$0x3FAB]  }
0x29: {  	s4 =	sld [smem:$0x3FAD]  }
0x2a: {  	p0 =	seq.s32 s5, $0x0;
	s5 =	sld [smem:$0x3FAE]  }
0x2b: {  	s6 =	sld [smem:$0x3FAF]  }
0x2c: {  	s7 =	sld [smem:$0x3FB0]  }
0x2d: {  	s3 =	simm.s32 $0x108;
	s8 =	sld [smem:$0x3FB1]  }
0x2e: {  	s3 =	simm.s32 @!p0 $0x1082;
	s9 =	sld [smem:$0x3FB2]  }
0x2f: {  	lr =	sadd.s32 s0, s3;
	s0 =	sld [smem:$0x3FA9]  }
0x30: {  	s3 =	sld [smem:$0x3FAC]  }
0x31: {  	[smem:$0x3FB5] =	sst s10  }
0x32: {  	s10 =	sld [smem:$0x3FB3];
	_ =	sdelay $0x3  }
0x33: {  	p0 =	seq.s32 s10, $0x1;
	s10 =	sld [smem:$0x3FB5];
	_ =	sdelay $0x3  }
0x34: {  	[smem:$0x3FB5] =	sst s10  }
0x35: {  	s10 =	sld [smem:$0x3FB4];
	_ =	sdelay $0x3  }
0x36: {  	p1 =	seq.s32 s10, $0x1;
	s10 =	sld [smem:$0x3FB5];
	_ =	sdelay $0x3  }
0x37: {  	[smem:$0x3FB5] =	sst s10  }
0x38: {  	s10 =	sld [smem:$0x3FB6]  }
0x39: {  	_ = 	snop;
	(pc) =	sbr.ind lr, $3  }
0x3a: {  	_ = 	snop  }
0x3b: {  	_ = 	snop  }
0x3c: {  	p2 =	seq.s32 s10, $0x1;
	s10 =	sld [smem:$0x3FB5]  }
0x3d: {  	_ =	shalt  }
0x3e: {  	_ =	shalt  }
0x3f: {  	_ =	shalt  }
0x40: {  	_ =	shalt  }
0x41: {  	_ =	shalt  }
0x42: {  	_ =	shalt  }
0x43: {  	_ =	shalt  }
0x44: {  	_ =	shalt  }
0x45: {  	_ =	shalt  }
0x46: {  	_ =	shalt  }
0x47: {  	_ =	shalt  }
0x48: {  	_ =	shalt  }
0x49: {  	_ =	shalt  }
0x4a: {  	_ =	shalt  }
0x4b: {  	_ =	shalt  }
0x4c: {  	_ =	shalt  }
0x4d: {  	_ =	shalt  }
0x4e: {  	_ =	shalt  }
0x4f: {  	_ =	shalt  }
0x50: {  	_ =	shalt  }
0x51: {  	_ =	shalt  }
0x52: {  	_ =	shalt  }
0x53: {  	_ =	shalt  }
0x54: {  	_ =	shalt  }
0x55: {  	_ =	shalt  }
0x56: {  	_ =	shalt  }
0x57: {  	_ =	shalt  }
0x58: {  	_ =	shalt  }
0x59: {  	_ =	shalt  }
0x5a: {  	_ =	shalt  }
0x5b: {  	_ =	shalt  }
0x5c: {  	_ =	shalt  }
0x5d: {  	_ =	shalt  }
0x5e: {  	_ =	shalt  }
0x5f: {  	_ =	shalt  }
0x60: {  	_ =	shalt  }
0x61: {  	_ =	shalt  }
0x62: {  	_ =	shalt  }
0x63: {  	_ =	shalt  }
0x64: {  	_ =	shalt  }
0x65: {  	_ =	shalt  }
0x66: {  	_ =	shalt  }
0x67: {  	_ =	shalt  }
0x68: {  	_ =	shalt  }
0x69: {  	_ =	shalt  }
0x6a: {  	_ =	shalt  }
0x6b: {  	_ =	shalt  }
0x6c: {  	_ =	shalt  }
0x6d: {  	_ =	shalt  }
0x6e: {  	_ =	shalt  }
0x6f: {  	_ =	shalt  }
0x70: {  	_ =	shalt  }
0x71: {  	_ =	shalt  }
0x72: {  	_ =	shalt  }
0x73: {  	_ =	shalt  }
0x74: {  	_ =	shalt  }
0x75: {  	_ =	shalt  }
0x76: {  	_ =	shalt  }
0x77: {  	_ =	shalt  }
0x78: {  	_ =	shalt  }
0x79: {  	_ =	shalt  }
0x7a: {  	_ =	shalt  }
0x7b: {  	_ =	shalt  }
0x7c: {  	_ =	shalt  }
0x7d: {  	_ =	shalt  }
0x7e: {  	_ =	shalt  }
0x7f: {  	_ =	shalt  }
0x80: {  	_ =	shalt  }
0x81: {  	_ =	shalt  }
0x82: {  	_ =	shalt  }
0x83: {  	_ =	shalt  }
0x84: {  	_ =	shalt  }
0x85: {  	_ =	shalt  }
0x86: {  	_ =	shalt  }
0x87: {  	_ =	shalt  }
.Lfunc_end0:
.L_simem_size_0:
called_computation_lowered:
.L_overlay_start_0:
0x88: {  	s2 =	sld [smem:$0x3FD9]  }
0x89: {  	s3 =	sld [smem:$0x3FFE];
	_ =	sdelay $0x1  }
0x8a: {  	s1 =	srdreg.scid  }
0x8b: {  	s0 =	sand.u32 $0x1, s1  }
0x8c: {  	s14 =	sshll.u32 s0, $0xA;
	s2 =	sadd.s32 s3, s2  }
0x8d: {  	s2 =	sadd.s32 s2, s14  }
0x8e: {  	[smem:$0x3FC1] =	sst s2  }
0x8f: {  	_ = 	snop  }
0x90: {  	s2 =	sld [smem:$0x3FD0];
	_ =	sdelay $0x2  }
0x91: {  	s4 =	simm.s32 $0xA;
	s5 =	simm.s32 $0x10;
	s15 =	sld [smem:$0x3FC9]  }
0x92: {  	[smem:s5], [sflag:s4] =	dma.local [hbm:s2], $0x1  }
0x93: {  	_ =	swait.eq [sflag:s4], $0x1  }
0x94: {  	[sflag:s4] =	ssyncset.done $0x0  }
0x95: {  	[sflag:s4] =	ssyncadd.s32 $0xFFFFFFFF  }
0x96: {  	s16 =	sld [smem:$0x10];
	(tm) =	ssettm $0x1  }
0x97: {  	s17 =	sld [smem:$0x3FFB];
	_ =	sdelay $0x3  }
0x98: {  	_ =	strace s17  }
0x99: {  	s4 =	sld [smem:$0x3FFC];
	_ =	sdelay $0x3  }
0x9a: {  	_ =	strace s4  }
0x9b: {  	s4 =	sld [smem:$0x3FFD];
	_ =	sdelay $0x3  }
0x9c: {  	_ =	strace s4  }
0x9d: {  	_ =	strace $0x8FFFFFFF  }
0x9e: {  	s18 =	sld [smem:$0x3FDB];
	_ =	sdelay $0x1  }
0x9f: {  	s19 =	simm.s32 $_scs_section_size  }
0xa0: {  	s6 =	simm.s32 $_size__tile_overlayer_lowered;
	s7 =	simm.s32 $_tile_overlayer_lowered  }
0xa1: {  	s22 =	simm.s32 $0x1BFF;
	s21 =	sshll.u32 s7, $0x1;
	s4 =	sadd.s32 s19, s18  }
0xa2: {  	s8 =	simm.s32 $0x0;
	s20 =	sshll.u32 s6, $0x1;
	s6 =	sadd.s32 s21, s4  }
0xa3: {  	[timem:s8], [sflag:s22] =	dma.local [hbm:s6], s20  }
0xa4: {  	_ =	swait.ge [sflag:s22], s20  }
0xa5: {  	s5 =	ssub.s32 $0x0, s20;
	[sflag:s22] =	ssyncset.done $0x0  }
0xa6: {  	[sflag:s22] =	ssyncadd.s32 s5;
	_ =	sdelay $0x1  }
0xa7: {  	s23 =	simm.s32 $0x1B8B  }
0xa8: {  	_ =	swait.ge [sflag:s23], $0x1  }
0xa9: {  	[sflag:s23] =	ssyncset.done $0x0  }
0xaa: {  	s25 =	simm.s32 $0x1B8E;
	s24 =	sld [smem:$0x3FFE];
	[sflag:s23] =	ssyncadd.s32 $0xFFFFFFFF  }
0xab: {  	s26 =	simm.s32 $execute0_lowered;
	[smem:$0x3FD2] =	sst s25  }
0xac: {  	s6 =	sshll.u32 s26, $0x1;
	_ =	strace $0x80000046;
	[dreg:$0x1] =	wrdreg $0xFFFFFFFF  }
0xad: {  	s28 =	simm.s32 $_size_execute0_lowered;
	s4 =	sadd.s32 s4, s6;
	[dreg:$0x0] =	wrdreg $0x0  }
0xae: {  	s6 =	sshll.u32 s28, $0x1;
	[dreg:$0x2] =	wrdreg s4  }
0xaf: {  	[dreg:$0x3] =	wrdreg s6  }
0xb0: {  	[dreg:$0x4] =	wrdreg $0xC0  }
0xb1: {  	_ =	task [dreg:s8], $0x5FFFF  }
0xb2: {  	[dreg:$0x1] =	wrdreg $0xFFFFFFFF  }
0xb3: {  	[dreg:$0x0] =	wrdreg $0x60  }
0xb4: {  	[dreg:$0x2] =	wrdreg s24  }
0xb5: {  	[dreg:$0x3] =	wrdreg s15  }
0xb6: {  	[dreg:$0x4] =	wrdreg s16  }
0xb7: {  	[dreg:$0x5] =	wrdreg $0x9  }
0xb8: {  	_ =	task.clear_ibuf [dreg:s8], $0x6FFFF;
	_ =	strace $0x90000046  }
0xb9: {  	s29 =	simm.s32 $0x9;
	_ =	strace $0x80000048  }
0xba: {  	_ =	swait.ge [sflag:s29], $0x1  }
0xbb: {  	[sflag:s29] =	ssyncadd.s32 $0xFFFFFFFF  }
0xbc: {  	_ =	strace $0x90000048  }
0xbd: {  	_ =	sfence  }
0xbe: {  	s30 =	sld [smem:$0x0];
	_ =	sdelay $0x2  }
0xbf: {  	s31 =	sshll.u32 s1, $0xD;
	s1 =	sshrl.u32 s1, $0x2  }
0xc0: {  	s3 =	sand.u32 $0x4000, s31;
	s1 =	sadd.s32 s1, s30  }
0xc1: {  	s0 =	sor.u32 s3, s0;
	s1 =	sshll.u32 s1, $0x11  }
0xc2: {  	s0 =	sor.u32 s1, s0  }
0xc3: {  	s0 =	sadd.s32 $0x8F2B, s0  }
0xc4: {  	[sflag:s0] =	ssyncadd.remote.s32 $0x1  }
0xc5: {  	_ =	sfence.sel $0xFFFF  }
0xc6: {  	[dreg:$0x0] =	wrdreg $0xFFFFFFFF;
	(pc) =	sbr.abs _section_cstart, $3  }
0xc7: {  	[dreg:$0x1] =	wrdreg $0xFFFFFFFF  }
0xc8: {  	_ =	task.clear_ibuf [dreg:s8], $0x2FFFF;
	_ =	strace $0x9FFFFFFF  }
0xc9: {  	(tm) =	ssettm $0x7FFFFFFF  }
tec
execute0_lowered:
.L_overlay_start_1:
0x0: {  	(tag) =	ssettag $0x1  }
0x1: {  	s0 =	rddreg [dreg:$0x0]  }
0x2: {  	s1 =	rddreg [dreg:$0x1]  }
0x3: {  	s2 =	rddreg [dreg:$0x2]  }
0x4: {  	s3 =	srdreg.scid;
	s4 =	stileid.u32  }
0x5: {  	s30 =	simm.s32 $0x80;
	s14 =	simm.s32 $0x8280;
	s31 =	simm.s32 $0x1  }
0x6: {  	s28 =	simm.s32 $0x9280;
	s12 =	simm.s32 $0x9A80;
	s11 =	simm.s32 $0xBA80  }
0x7: {  	s15 =	simm.s32 $0xC280;
	s16 =	simm.s32 $0xCA80;
	s17 =	simm.s32 $0xD280  }
0x8: {  	s18 =	simm.s32 $0xDA80;
	s19 =	simm.s32 $0xE280;
	s20 =	simm.s32 $0xEA80  }
0x9: {  	s21 =	simm.s32 $0xF280;
	[dreg:$0x4] =	wrdreg s2;
	s2 =	simm.s32 $0x0  }
0xa: {  	s3 =	sand.u32 $0x1, s3;
	s4 =	sshll.u32 s4, $0x1;
	[smem:$0x7FF] =	sst s2  }
0xb: {  	s4 =	sor.u32 s3, s4;
	s8 =	ssub.s32 $0x2, s3;
	s3 =	sadd.s32 $0x12600, s0  }
0xc: {  	_ =	strace $0x80000047;
	s5 =	sshll.u32 s4, $0x6;
	s6 =	sshll.u32 s4, $0x4  }
0xd: {  	s7 =	sshll.u32 s4, $0xB;
	s9 =	sshrl.u32 s8, $0x1;
	s4 =	sshll.u32 s4, $0xE  }
0xe: {  	[dreg:$0xb] =	wrdreg s30;
	s5 =	sadd.s32 s5, s0;
	s6 =	sadd.s32 s6, s0  }
0xf: {  	s7 =	sadd.s32 s7, s0;
	s24 =	sadd.s32 s1, s4;
	s25 =	ssub.s32 s8, s9  }
0x10: {  	s9 =	simm.s32 $0x6;
	s5 =	sadd.s32 $0x11E00, s5;
	[dreg:$0xc] =	wrdreg s24  }
0x11: {  	s22 =	sadd.s32 $0x11C00, s6;
	s23 =	sadd.s32 $0x1C00, s7;
	[dreg:$0x5] =	wrdreg s5  }
0x12: {  	s4 =	sadd.s32 $0x1000, s24;
	s26 =	sadd.s32 $0x2000, s24;
	[dreg:$0x6] =	wrdreg s22  }
0x13: {  	s6 =	sadd.s32 $0x12800, s0;
	s29 =	sadd.s32 $0x3000, s24;
	[dreg:$0x7] =	wrdreg s23  }
0x14: {  	s7 =	sadd.s32 $0x12900, s0;
	s8 =	smax.u32 s25, $0x1;
	[dreg:$0x8] =	wrdreg s4  }
0x15: {  	v2 =	vlaneseq.u32;
	s24 =	simm.s32 $0x7A80;
	s25 =	simm.s32 $0x8A80;
	[dreg:$0x9] =	wrdreg s26  }
0x16: {  	vm0 =	vmmov $0xffff;
	v1 =	vshrl.u32 v2, $0x3;
	s5 =	sadd.s32 $0x12700, s0;
	[dreg:$0xa] =	wrdreg s29;
	s23 =	simm.s32 $0x4  }
0x17: {  	v0 =	vand.u32 $0x7, v2;
	v2 =	vor.u32 $0x8, v2;
	v1 =	vmul.u32 $0x8, v1;
	s26 =	simm.s32 $0x2;
	s4 =	simm.s32 $0xAA80;
	s22 =	simm.s32 $0xFA80  }
.LBB2_1:
0x18: {  	s29 =	rddreg [dreg:$0x5]  }
0x19: {  	[tilespmem:s2], [sflag:$0x6] =	stream.linear.gather [hbm4b:s29+s2], $0x200, $0x38;
	[tilespmem:$0x14280] =	vst v63  }
0x1a: {  	_ =	swait.ge [sflag:s9], $0x200  }
0x1b: {  	[sflag:s9] =	ssyncset.done $0x0  }
0x1c: {  	s1 =	simm.s32 $0x200;
	s30 =	rddreg [dreg:$0x6];
	[sflag:s9] =	ssyncadd.s32 $0xFFFFFE00  }
0x1d: {  	[tilespmem:s1], [sflag:$0x6] =	stream.linear.gather [hbm4b:s30+s2], $0x80, $0x38;
	[tilespmem:$0x14280] =	vst v63  }
0x1e: {  	_ =	swait.ge [sflag:s9], $0x80  }
0x1f: {  	[sflag:s9] =	ssyncset.done $0x0  }
0x20: {  	s10 =	simm.s32 $0x10280;
	s0 =	rddreg [dreg:$0x7];
	[sflag:s9] =	ssyncadd.s32 $0xFFFFFF80  }
0x21: {  	[tilespmem:s10], [sflag:$0x6] =	stream.linear.gather [hbm4b:s0+s2], $0x4000, $0x38;
	[tilespmem:$0x14280] =	vst v63  }
0x22: {  	_ =	swait.ge [sflag:s9], $0x4000  }
0x23: {  	s13 =	rddreg [dreg:$0x4];
	[sflag:s9] =	ssyncset.done $0x0  }
0x24: {  	s30 =	rddreg [dreg:$0xb];
	[sflag:s9] =	ssyncadd.s32 $0xFFFFC000  }
0x25: {  	[hbm4b:s13+s30] =	stream.indirect.scatter [tilespmem:s10], [sflag:$0x5], $0x80, s1, s30, $0xb8;
	[tilespmem:$0x14280] =	vst v63  }
0x26: {  	s1 =	rddreg [dreg:$0xc];
	s13 =	simm.s32 $0x280  }
0x27: {  	[tilespmem:s13], [sflag:$0x1] =	stream.linear.gather [hbm4b:s1+s2], $0x8000, $0x38;
	[tilespmem:$0x14280] =	vst v63  }
0x28: {  	s0 =	rddreg [dreg:$0x8]  }
0x29: {  	[tilespmem:s14], [sflag:$0x2] =	stream.linear.gather [hbm4b:s0+s2], $0x8000, $0x38;
	[tilespmem:$0x14280] =	vst v63  }
0x2a: {  	_ =	swait.ge [sflag:s31], $0x8000  }
0x2b: {  	[sflag:s31] =	ssyncset.done $0x0  }
0x2c: {  	[sflag:s31] =	ssyncadd.s32 $0xFFFF8000  }
0x2d: {  	v3 =	vld [tilespmem:$0x0];
	_ =	sdelay $0x4  }
0x2e: {  	v4 =	vshll.u32 v3, $0x3  }
0x2f: {  	v3 =	vand.u32 $0x7, v3;
	v4 =	vand.u32 $0xFFFFFFC0, v4  }
0x30: {  	v3 =	vor.u32 v3, v4  }
0x31: {  	v4 =	vperm.xlane v3, v0;
	_ =	sdelay $0x1  }
0x32: {  	v4 =	vadd.s32 v1, v4;
	_ =	sdelay $0x4  }
0x33: {  	[hbm4b:s3+s2] =	stream.indirect_vreg.scatter [tilespmem:s13], [sflag:$0x3], $0x80, v4, vm0, $0xb8;
	[tilespmem:$0x14280] =	vst v63  }
0x34: {  	s0 =	simm.s32 $0xA80;
	v3 =	vperm.xlane v3, v2  }
0x35: {  	[hbm4b:s5+s2] =	stream.indirect_vreg.scatter [tilespmem:s0], [sflag:$0x3], $0x80, v4, vm0, $0xb8;
	[tilespmem:$0x14280] =	vst v63  }
0x36: {  	s10 =	simm.s32 $0x1280;
	v3 =	vadd.s32 v1, v3  }
0x37: {  	[hbm4b:s6+s2] =	stream.indirect_vreg.scatter [tilespmem:s10], [sflag:$0x3], $0x80, v4, vm0, $0xb8;
	[tilespmem:$0x14280] =	vst v63  }
0x38: {  	s30 =	simm.s32 $0x1A80  }
0x39: {  	[hbm4b:s7+s2] =	stream.indirect_vreg.scatter [tilespmem:s30], [sflag:$0x3], $0x80, v4, vm0, $0xb8;
	[tilespmem:$0x14280] =	vst v63  }
0x3a: {  	s29 =	simm.s32 $0x2280  }
0x3b: {  	[hbm4b:s3+s2] =	stream.indirect_vreg.scatter [tilespmem:s29], [sflag:$0x3], $0x80, v3, vm0, $0xb8;
	[tilespmem:$0x14280] =	vst v63  }
0x3c: {  	s1 =	simm.s32 $0x2A80  }
0x3d: {  	[hbm4b:s5+s2] =	stream.indirect_vreg.scatter [tilespmem:s1], [sflag:$0x3], $0x80, v3, vm0, $0xb8;
	[tilespmem:$0x14280] =	vst v63  }
0x3e: {  	s10 =	simm.s32 $0x3280  }
0x3f: {  	[hbm4b:s6+s2] =	stream.indirect_vreg.scatter [tilespmem:s10], [sflag:$0x3], $0x80, v3, vm0, $0xb8;
	[tilespmem:$0x14280] =	vst v63  }
0x40: {  	s29 =	simm.s32 $0x3A80  }
0x41: {  	[hbm4b:s7+s2] =	stream.indirect_vreg.scatter [tilespmem:s29], [sflag:$0x3], $0x80, v3, vm0, $0xb8;
	[tilespmem:$0x14280] =	vst v63  }
0x42: {  	v3 =	vld [tilespmem:$0x10];
	_ =	sdelay $0x4  }
0x43: {  	v57 =	vshll.u32 v3, $0x3  }
0x44: {  	v3 =	vand.u32 $0x7, v3;
	v4 =	vand.u32 $0xFFFFFFC0, v57  }
0x45: {  	v3 =	vor.u32 v3, v4  }
0x46: {  	v4 =	vperm.xlane v3, v0;
	_ =	sdelay $0x1  }
0x47: {  	v4 =	vadd.s32 v1, v4;
	_ =	sdelay $0x3  }
0x48: {  	s1 =	simm.s32 $0x4280  }
0x49: {  	[hbm4b:s3+s2] =	stream.indirect_vreg.scatter [tilespmem:s1], [sflag:$0x3], $0x80, v4, vm0, $0xb8;
	[tilespmem:$0x14280] =	vst v63  }
0x4a: {  	s10 =	simm.s32 $0x4A80;
	v3 =	vperm.xlane v3, v2  }
0x4b: {  	[hbm4b:s5+s2] =	stream.indirect_vreg.scatter [tilespmem:s10], [sflag:$0x3], $0x80, v4, vm0, $0xb8;
	[tilespmem:$0x14280] =	vst v63  }
0x4c: {  	s29 =	simm.s32 $0x5280;
	v3 =	vadd.s32 v1, v3  }
0x4d: {  	[hbm4b:s6+s2] =	stream.indirect_vreg.scatter [tilespmem:s29], [sflag:$0x3], $0x80, v4, vm0, $0xb8;
	[tilespmem:$0x14280] =	vst v63  }
0x4e: {  	s1 =	simm.s32 $0x5A80  }
0x4f: {  	[hbm4b:s7+s2] =	stream.indirect_vreg.scatter [tilespmem:s1], [sflag:$0x3], $0x80, v4, vm0, $0xb8;
	[tilespmem:$0x14280] =	vst v63  }
0x50: {  	s10 =	simm.s32 $0x6280  }
0x51: {  	[hbm4b:s3+s2] =	stream.indirect_vreg.scatter [tilespmem:s10], [sflag:$0x3], $0x80, v3, vm0, $0xb8;
	[tilespmem:$0x14280] =	vst v63  }
0x52: {  	s29 =	simm.s32 $0x6A80  }
0x53: {  	[hbm4b:s5+s2] =	stream.indirect_vreg.scatter [tilespmem:s29], [sflag:$0x3], $0x80, v3, vm0, $0xb8;
	[tilespmem:$0x14280] =	vst v63  }
0x54: {  	s1 =	simm.s32 $0x7280  }
0x55: {  	[hbm4b:s6+s2] =	stream.indirect_vreg.scatter [tilespmem:s1], [sflag:$0x3], $0x80, v3, vm0, $0xb8;
	[tilespmem:$0x14280] =	vst v63  }
0x56: {  	s0 =	simm.s32 $0x3  }
0x57: {  	[hbm4b:s7+s2] =	stream.indirect_vreg.scatter [tilespmem:s24], [sflag:$0x3], $0x80, v3, vm0, $0xb8;
	[tilespmem:$0x14280] =	vst v63  }
0x58: {  	_ =	swait.ge [sflag:s0], $0x8000  }
0x59: {  	[sflag:s0] =	ssyncset.done $0x0  }
0x5a: {  	s10 =	rddreg [dreg:$0x9];
	[sflag:s0] =	ssyncadd.s32 $0xFFFF8000  }
0x5b: {  	[tilespmem:s13], [sflag:$0x1] =	stream.linear.gather [hbm4b:s10+s2], $0x8000, $0x38;
	[tilespmem:$0x14280] =	vst v63  }
0x5c: {  	_ =	swait.ge [sflag:s26], $0x8000  }
0x5d: {  	[sflag:s26] =	ssyncset.done $0x0  }
0x5e: {  	[sflag:s26] =	ssyncadd.s32 $0xFFFF8000  }
0x5f: {  	v3 =	vld [tilespmem:$0x80];
	_ =	sdelay $0x4  }
0x60: {  	v58 =	vshll.u32 v3, $0x3  }
0x61: {  	v3 =	vand.u32 $0x7, v3;
	v4 =	vand.u32 $0xFFFFFFC0, v58  }
0x62: {  	v3 =	vor.u32 v3, v4  }
0x63: {  	v4 =	vperm.xlane v3, v0;
	_ =	sdelay $0x1  }
0x64: {  	v4 =	vadd.s32 v1, v4;
	_ =	sdelay $0x4  }
0x65: {  	[hbm4b:s3+s2] =	stream.indirect_vreg.scatter [tilespmem:s14], [sflag:$0x4], $0x80, v4, vm0, $0xb8;
	[tilespmem:$0x14280] =	vst v63  }
0x66: {  	v3 =	vperm.xlane v3, v2  }
0x67: {  	[hbm4b:s5+s2] =	stream.indirect_vreg.scatter [tilespmem:s25], [sflag:$0x4], $0x80, v4, vm0, $0xb8;
	[tilespmem:$0x14280] =	vst v63  }
0x68: {  	v3 =	vadd.s32 v1, v3  }
0x69: {  	[hbm4b:s6+s2] =	stream.indirect_vreg.scatter [tilespmem:s28], [sflag:$0x4], $0x80, v4, vm0, $0xb8;
	[tilespmem:$0x14280] =	vst v63  }
0x6a: {  	_ = 	snop  }
0x6b: {  	[hbm4b:s7+s2] =	stream.indirect_vreg.scatter [tilespmem:s12], [sflag:$0x4], $0x80, v4, vm0, $0xb8;
	[tilespmem:$0x14280] =	vst v63  }
0x6c: {  	s1 =	simm.s32 $0xA280  }
0x6d: {  	[hbm4b:s3+s2] =	stream.indirect_vreg.scatter [tilespmem:s1], [sflag:$0x4], $0x80, v3, vm0, $0xb8;
	[tilespmem:$0x14280] =	vst v63  }
0x6e: {  	_ = 	snop  }
0x6f: {  	[hbm4b:s5+s2] =	stream.indirect_vreg.scatter [tilespmem:s4], [sflag:$0x4], $0x80, v3, vm0, $0xb8;
	[tilespmem:$0x14280] =	vst v63  }
0x70: {  	s10 =	simm.s32 $0xB280  }
0x71: {  	[hbm4b:s6+s2] =	stream.indirect_vreg.scatter [tilespmem:s10], [sflag:$0x4], $0x80, v3, vm0, $0xb8;
	[tilespmem:$0x14280] =	vst v63  }
0x72: {  	_ = 	snop  }
0x73: {  	[hbm4b:s7+s2] =	stream.indirect_vreg.scatter [tilespmem:s11], [sflag:$0x4], $0x80, v3, vm0, $0xb8;
	[tilespmem:$0x14280] =	vst v63  }
0x74: {  	v3 =	vld [tilespmem:$0x90];
	_ =	sdelay $0x4  }
0x75: {  	v59 =	vshll.u32 v3, $0x3  }
0x76: {  	v3 =	vand.u32 $0x7, v3;
	v4 =	vand.u32 $0xFFFFFFC0, v59  }
0x77: {  	v3 =	vor.u32 v3, v4  }
0x78: {  	v4 =	vperm.xlane v3, v0;
	_ =	sdelay $0x1  }
0x79: {  	v4 =	vadd.s32 v1, v4;
	_ =	sdelay $0x4  }
0x7a: {  	[hbm4b:s3+s2] =	stream.indirect_vreg.scatter [tilespmem:s15], [sflag:$0x4], $0x80, v4, vm0, $0xb8;
	[tilespmem:$0x14280] =	vst v63  }
0x7b: {  	v3 =	vperm.xlane v3, v2  }
0x7c: {  	[hbm4b:s5+s2] =	stream.indirect_vreg.scatter [tilespmem:s16], [sflag:$0x4], $0x80, v4, vm0, $0xb8;
	[tilespmem:$0x14280] =	vst v63  }
0x7d: {  	v3 =	vadd.s32 v1, v3  }
0x7e: {  	[hbm4b:s6+s2] =	stream.indirect_vreg.scatter [tilespmem:s17], [sflag:$0x4], $0x80, v4, vm0, $0xb8;
	[tilespmem:$0x14280] =	vst v63  }
0x7f: {  	_ = 	snop  }
0x80: {  	[hbm4b:s7+s2] =	stream.indirect_vreg.scatter [tilespmem:s18], [sflag:$0x4], $0x80, v4, vm0, $0xb8;
	[tilespmem:$0x14280] =	vst v63  }
0x81: {  	_ = 	snop  }
0x82: {  	[hbm4b:s3+s2] =	stream.indirect_vreg.scatter [tilespmem:s19], [sflag:$0x4], $0x80, v3, vm0, $0xb8;
	[tilespmem:$0x14280] =	vst v63  }
0x83: {  	_ = 	snop  }
0x84: {  	[hbm4b:s5+s2] =	stream.indirect_vreg.scatter [tilespmem:s20], [sflag:$0x4], $0x80, v3, vm0, $0xb8;
	[tilespmem:$0x14280] =	vst v63  }
0x85: {  	_ = 	snop  }
0x86: {  	[hbm4b:s6+s2] =	stream.indirect_vreg.scatter [tilespmem:s21], [sflag:$0x4], $0x80, v3, vm0, $0xb8;
	[tilespmem:$0x14280] =	vst v63  }
0x87: {  	_ = 	snop  }
0x88: {  	[hbm4b:s7+s2] =	stream.indirect_vreg.scatter [tilespmem:s22], [sflag:$0x4], $0x80, v3, vm0, $0xb8;
	[tilespmem:$0x14280] =	vst v63  }
0x89: {  	_ =	swait.ge [sflag:s23], $0x8000  }
0x8a: {  	[sflag:s23] =	ssyncset.done $0x0  }
0x8b: {  	s29 =	rddreg [dreg:$0xa];
	[sflag:s23] =	ssyncadd.s32 $0xFFFF8000  }
0x8c: {  	[tilespmem:s14], [sflag:$0x2] =	stream.linear.gather [hbm4b:s29+s2], $0x8000, $0x38;
	[tilespmem:$0x14280] =	vst v63  }
0x8d: {  	_ =	swait.ge [sflag:s31], $0x8000  }
0x8e: {  	[sflag:s31] =	ssyncset.done $0x0  }
0x8f: {  	[sflag:s31] =	ssyncadd.s32 $0xFFFF8000  }
0x90: {  	v3 =	vld [tilespmem:$0x100];
	_ =	sdelay $0x4  }
0x91: {  	v60 =	vshll.u32 v3, $0x3  }
0x92: {  	v3 =	vand.u32 $0x7, v3;
	v4 =	vand.u32 $0xFFFFFFC0, v60  }
0x93: {  	v3 =	vor.u32 v3, v4  }
0x94: {  	v4 =	vperm.xlane v3, v0;
	_ =	sdelay $0x1  }
0x95: {  	v4 =	vadd.s32 v1, v4;
	_ =	sdelay $0x4  }
0x96: {  	[hbm4b:s3+s2] =	stream.indirect_vreg.scatter [tilespmem:s13], [sflag:$0x3], $0x80, v4, vm0, $0xb8;
	[tilespmem:$0x14280] =	vst v63  }
0x97: {  	s29 =	simm.s32 $0xA80;
	v3 =	vperm.xlane v3, v2  }
0x98: {  	[hbm4b:s5+s2] =	stream.indirect_vreg.scatter [tilespmem:s29], [sflag:$0x3], $0x80, v4, vm0, $0xb8;
	[tilespmem:$0x14280] =	vst v63  }
0x99: {  	v3 =	vadd.s32 v1, v3;
	s29 =	simm.s32 $0x1280  }
0x9a: {  	[hbm4b:s6+s2] =	stream.indirect_vreg.scatter [tilespmem:s29], [sflag:$0x3], $0x80, v4, vm0, $0xb8;
	[tilespmem:$0x14280] =	vst v63  }
0x9b: {  	_ = 	snop  }
0x9c: {  	[hbm4b:s7+s2] =	stream.indirect_vreg.scatter [tilespmem:s30], [sflag:$0x3], $0x80, v4, vm0, $0xb8;
	[tilespmem:$0x14280] =	vst v63  }
0x9d: {  	s29 =	simm.s32 $0x2280  }
0x9e: {  	[hbm4b:s3+s2] =	stream.indirect_vreg.scatter [tilespmem:s29], [sflag:$0x3], $0x80, v3, vm0, $0xb8;
	[tilespmem:$0x14280] =	vst v63  }
0x9f: {  	s30 =	simm.s32 $0x2A80  }
0xa0: {  	[hbm4b:s5+s2] =	stream.indirect_vreg.scatter [tilespmem:s30], [sflag:$0x3], $0x80, v3, vm0, $0xb8;
	[tilespmem:$0x14280] =	vst v63  }
0xa1: {  	s29 =	simm.s32 $0x3280  }
0xa2: {  	[hbm4b:s6+s2] =	stream.indirect_vreg.scatter [tilespmem:s29], [sflag:$0x3], $0x80, v3, vm0, $0xb8;
	[tilespmem:$0x14280] =	vst v63  }
0xa3: {  	s30 =	simm.s32 $0x3A80  }
0xa4: {  	[hbm4b:s7+s2] =	stream.indirect_vreg.scatter [tilespmem:s30], [sflag:$0x3], $0x80, v3, vm0, $0xb8;
	[tilespmem:$0x14280] =	vst v63  }
0xa5: {  	v3 =	vld [tilespmem:$0x110];
	_ =	sdelay $0x4  }
0xa6: {  	v61 =	vshll.u32 v3, $0x3  }
0xa7: {  	v3 =	vand.u32 $0x7, v3;
	v4 =	vand.u32 $0xFFFFFFC0, v61  }
0xa8: {  	v3 =	vor.u32 v3, v4  }
0xa9: {  	v4 =	vperm.xlane v3, v0;
	_ =	sdelay $0x1  }
0xaa: {  	v4 =	vadd.s32 v1, v4;
	_ =	sdelay $0x3  }
0xab: {  	s29 =	simm.s32 $0x4280  }
0xac: {  	[hbm4b:s3+s2] =	stream.indirect_vreg.scatter [tilespmem:s29], [sflag:$0x3], $0x80, v4, vm0, $0xb8;
	[tilespmem:$0x14280] =	vst v63  }
0xad: {  	s30 =	simm.s32 $0x4A80;
	v3 =	vperm.xlane v3, v2  }
0xae: {  	[hbm4b:s5+s2] =	stream.indirect_vreg.scatter [tilespmem:s30], [sflag:$0x3], $0x80, v4, vm0, $0xb8;
	[tilespmem:$0x14280] =	vst v63  }
0xaf: {  	v3 =	vadd.s32 v1, v3;
	s29 =	simm.s32 $0x5280  }
0xb0: {  	[hbm4b:s6+s2] =	stream.indirect_vreg.scatter [tilespmem:s29], [sflag:$0x3], $0x80, v4, vm0, $0xb8;
	[tilespmem:$0x14280] =	vst v63  }
0xb1: {  	s30 =	simm.s32 $0x5A80  }
0xb2: {  	[hbm4b:s7+s2] =	stream.indirect_vreg.scatter [tilespmem:s30], [sflag:$0x3], $0x80, v4, vm0, $0xb8;
	[tilespmem:$0x14280] =	vst v63  }
0xb3: {  	s29 =	simm.s32 $0x6280  }
0xb4: {  	[hbm4b:s3+s2] =	stream.indirect_vreg.scatter [tilespmem:s29], [sflag:$0x3], $0x80, v3, vm0, $0xb8;
	[tilespmem:$0x14280] =	vst v63  }
0xb5: {  	s30 =	simm.s32 $0x6A80  }
0xb6: {  	[hbm4b:s5+s2] =	stream.indirect_vreg.scatter [tilespmem:s30], [sflag:$0x3], $0x80, v3, vm0, $0xb8;
	[tilespmem:$0x14280] =	vst v63  }
0xb7: {  	s29 =	simm.s32 $0x7280  }
0xb8: {  	[hbm4b:s6+s2] =	stream.indirect_vreg.scatter [tilespmem:s29], [sflag:$0x3], $0x80, v3, vm0, $0xb8;
	[tilespmem:$0x14280] =	vst v63  }
0xb9: {  	_ = 	snop  }
0xba: {  	[hbm4b:s7+s2] =	stream.indirect_vreg.scatter [tilespmem:s24], [sflag:$0x3], $0x80, v3, vm0, $0xb8;
	[tilespmem:$0x14280] =	vst v63  }
0xbb: {  	_ =	swait.ge [sflag:s26], $0x8000  }
0xbc: {  	[sflag:s26] =	ssyncset.done $0x0  }
0xbd: {  	[sflag:s26] =	ssyncadd.s32 $0xFFFF8000  }
0xbe: {  	v3 =	vld [tilespmem:$0x180];
	_ =	sdelay $0x4  }
0xbf: {  	v62 =	vshll.u32 v3, $0x3  }
0xc0: {  	v3 =	vand.u32 $0x7, v3;
	v4 =	vand.u32 $0xFFFFFFC0, v62  }
0xc1: {  	v3 =	vor.u32 v3, v4  }
0xc2: {  	v4 =	vperm.xlane v3, v0;
	_ =	sdelay $0x1  }
0xc3: {  	v4 =	vadd.s32 v1, v4;
	_ =	sdelay $0x4  }
0xc4: {  	[hbm4b:s3+s2] =	stream.indirect_vreg.scatter [tilespmem:s14], [sflag:$0x4], $0x80, v4, vm0, $0xb8;
	[tilespmem:$0x14280] =	vst v63  }
0xc5: {  	v3 =	vperm.xlane v3, v2  }
0xc6: {  	[hbm4b:s5+s2] =	stream.indirect_vreg.scatter [tilespmem:s25], [sflag:$0x4], $0x80, v4, vm0, $0xb8;
	[tilespmem:$0x14280] =	vst v63  }
0xc7: {  	v3 =	vadd.s32 v1, v3  }
0xc8: {  	[hbm4b:s6+s2] =	stream.indirect_vreg.scatter [tilespmem:s28], [sflag:$0x4], $0x80, v4, vm0, $0xb8;
	[tilespmem:$0x14280] =	vst v63  }
0xc9: {  	_ = 	snop  }
0xca: {  	[hbm4b:s7+s2] =	stream.indirect_vreg.scatter [tilespmem:s12], [sflag:$0x4], $0x80, v4, vm0, $0xb8;
	[tilespmem:$0x14280] =	vst v63  }
0xcb: {  	_ = 	snop  }
0xcc: {  	[hbm4b:s3+s2] =	stream.indirect_vreg.scatter [tilespmem:s1], [sflag:$0x4], $0x80, v3, vm0, $0xb8;
	[tilespmem:$0x14280] =	vst v63  }
0xcd: {  	_ = 	snop  }
0xce: {  	[hbm4b:s5+s2] =	stream.indirect_vreg.scatter [tilespmem:s4], [sflag:$0x4], $0x80, v3, vm0, $0xb8;
	[tilespmem:$0x14280] =	vst v63  }
0xcf: {  	_ = 	snop  }
0xd0: {  	[hbm4b:s6+s2] =	stream.indirect_vreg.scatter [tilespmem:s10], [sflag:$0x4], $0x80, v3, vm0, $0xb8;
	[tilespmem:$0x14280] =	vst v63  }
0xd1: {  	_ = 	snop  }
0xd2: {  	[hbm4b:s7+s2] =	stream.indirect_vreg.scatter [tilespmem:s11], [sflag:$0x4], $0x80, v3, vm0, $0xb8;
	[tilespmem:$0x14280] =	vst v63  }
0xd3: {  	v3 =	vld [tilespmem:$0x190];
	_ =	sdelay $0x4  }
0xd4: {  	v63 =	vshll.u32 v3, $0x3  }
0xd5: {  	v3 =	vand.u32 $0x7, v3;
	v4 =	vand.u32 $0xFFFFFFC0, v63  }
0xd6: {  	v3 =	vor.u32 v3, v4  }
0xd7: {  	v4 =	vperm.xlane v3, v0;
	_ =	sdelay $0x1  }
0xd8: {  	v4 =	vadd.s32 v1, v4;
	_ =	sdelay $0x4  }
0xd9: {  	[hbm4b:s3+s2] =	stream.indirect_vreg.scatter [tilespmem:s15], [sflag:$0x4], $0x80, v4, vm0, $0xb8;
	[tilespmem:$0x14280] =	vst v63  }
0xda: {  	v3 =	vperm.xlane v3, v2  }
0xdb: {  	[hbm4b:s5+s2] =	stream.indirect_vreg.scatter [tilespmem:s16], [sflag:$0x4], $0x80, v4, vm0, $0xb8;
	[tilespmem:$0x14280] =	vst v63  }
0xdc: {  	v3 =	vadd.s32 v1, v3  }
0xdd: {  	[hbm4b:s6+s2] =	stream.indirect_vreg.scatter [tilespmem:s17], [sflag:$0x4], $0x80, v4, vm0, $0xb8;
	[tilespmem:$0x14280] =	vst v63  }
0xde: {  	_ = 	snop  }
0xdf: {  	[hbm4b:s7+s2] =	stream.indirect_vreg.scatter [tilespmem:s18], [sflag:$0x4], $0x80, v4, vm0, $0xb8;
	[tilespmem:$0x14280] =	vst v63  }
0xe0: {  	_ = 	snop  }
0xe1: {  	[hbm4b:s3+s2] =	stream.indirect_vreg.scatter [tilespmem:s19], [sflag:$0x4], $0x80, v3, vm0, $0xb8;
	[tilespmem:$0x14280] =	vst v63  }
0xe2: {  	_ = 	snop  }
0xe3: {  	[hbm4b:s5+s2] =	stream.indirect_vreg.scatter [tilespmem:s20], [sflag:$0x4], $0x80, v3, vm0, $0xb8;
	[tilespmem:$0x14280] =	vst v63  }
0xe4: {  	_ = 	snop  }
0xe5: {  	[hbm4b:s6+s2] =	stream.indirect_vreg.scatter [tilespmem:s21], [sflag:$0x4], $0x80, v3, vm0, $0xb8;
	[tilespmem:$0x14280] =	vst v63  }
0xe6: {  	_ = 	snop  }
0xe7: {  	[hbm4b:s7+s2] =	stream.indirect_vreg.scatter [tilespmem:s22], [sflag:$0x4], $0x80, v3, vm0, $0xb8;
	[tilespmem:$0x14280] =	vst v63  }
0xe8: {  	_ =	swait.ge [sflag:s0], $0x8000  }
0xe9: {  	[sflag:s0] =	ssyncset.done $0x0  }
0xea: {  	[sflag:s0] =	ssyncadd.s32 $0xFFFF8000  }
0xeb: {  	p0 =	sne.s32 s8, $0x1;
	_ =	swait.ge [sflag:s23], $0x8000  }
.Ltmp0:
0xec: {  	[sflag:s23] =	ssyncset.done $0x0;
	(pc) =	sbr.rel @p0 .LBB2_1-.Ltmp0, $4  }
0xed: {  	s30 =	simm.s32 $0x5;
	[sflag:s23] =	ssyncadd.s32 $0xFFFF8000  }
0xee: {  	_ =	swait.ge [sflag:s30], $0x4000  }
0xef: {  	[sflag:s30] =	ssyncset.done $0x0  }
0xf0: {  	s8 =	sadd.s32 $0xFFFFFFFF, s8;
	[sflag:s30] =	ssyncadd.s32 $0xFFFFC000  }
0xf1: {  	_ =	sfence.sel $0x180000  }
0xf2: {  	[bflag:$0x0] =	sbarrier.arrive $0xFFFF  }
0xf3: {  	_ =	strace $0x90000047  }
0xf4: {  	s0 =	stileid.u32;
	[bflag:$0x2] =	sbarrier.arrive $0xFFFF  }
0xf5: {  	p0 =	sne.s32 s0, $0x0;
	s0 =	rddreg [dreg:$0x3]  }
0xf6: {  	s0 =	sadd.s32 @!p0 $0x100000, s0  }
0xf7: {  	[sflag:s0] =	ssyncadd.tile.s32 @!p0 $0x1;
	_ =	shalt  }
.Lfunc_end2:
_tile_overlayer_lowered:
.L_overlay_start_2:
0xf8: {  	(tag) =	ssettag $0x2  }
0xf9: {  	s0 =	rddreg [dreg:$0x0];
	s2 =	stileid.u32  }
0xfa: {  	s1 =	rddreg [dreg:$0x1];
	p0 =	sne.s32 s2, $0x0  }
0xfb: {  	s3 =	rddreg [dreg:$0x2];
	[bflag:$0x3] =	sbarrier.arrive $0xFFFF;
	s2 =	simm.s32 @!p0 $0x1C06  }
0xfc: {  	[timem:s3], [sflag:s2] =	dma.local @!p0 [hbm:s0], s1  }
0xfd: {  	s0 =	simm.s32 @!p0 $0x6  }
0xfe: {  	_ =	swait.ge @!p0 [sflag:s0], s1  }
0xff: {  	s1 =	ssub.s32 @!p0 $0x0, s1;
	[sflag:s0] =	ssyncset.done @!p0 $0x0  }
0x100: {  	[sflag:s0] =	ssyncadd.s32 @!p0 s1  }
0x101: {  	[bflag:$0x3] =	sbarrier.arrive $0xFFFF  }
0x102: {  	_ =	shalt  }

// kernel: kernel.9.cloned.1.call-start
scs
__scs_entry_jumppad:
0x0: {  	(pc) =	sbr.rel $0x88, $3  }
0x1: {  	(tag) =	ssettag $0x0;
	lr =	simm.s32 $0x1  }
0x2: {  	[smem:$0x3F9A] =	sst lr;
	_ =	strace $0xD0000000  }
0x3: {  	_ = 	snop  }
0x4: {  	_ = 	snop  }
0x5: {  	_ = 	snop  }
0x6: {  	_ = 	snop  }
0x7: {  	_ = 	snop  }
__scs_overlays_trampoline_lowered:
0x8: {  	[smem:$0x3FA9] =	sst s0  }
0x9: {  	[smem:$0x3FAA] =	sst s1  }
0xa: {  	[smem:$0x3FAB] =	sst s2  }
0xb: {  	[smem:$0x3FAC] =	sst s3  }
0xc: {  	[smem:$0x3FAD] =	sst s4  }
0xd: {  	[smem:$0x3FAE] =	sst s5  }
0xe: {  	[smem:$0x3FAF] =	sst s6  }
0xf: {  	[smem:$0x3FB0] =	sst s7  }
0x10: {  	[smem:$0x3FB1] =	sst s8  }
0x11: {  	[smem:$0x3FB2] =	sst s9;
	s0 =	simm.s32 @!p0 $0x0  }
0x12: {  	s1 =	sld [smem:$0x3F98];
	s0 =	simm.s32 @p0 $0x1  }
0x13: {  	[smem:$0x3FB3] =	sst s0;
	s0 =	simm.s32 @!p1 $0x0  }
0x14: {  	s2 =	sld [smem:$0x3F97];
	s0 =	simm.s32 @p1 $0x1  }
0x15: {  	[smem:$0x3FB4] =	sst s0;
	s0 =	simm.s32 @!p2 $0x0  }
0x16: {  	s3 =	sld [smem:$0x3FDB];
	s0 =	simm.s32 @p2 $0x1  }
0x17: {  	s4 =	simm.s32 $0x1BF5;
	[smem:$0x3FB6] =	sst s0  }
0x18: {  	s0 =	sld [smem:$0x3F99];
	_ =	swait.ge [sflag:s4], $0x0  }
0x19: {  	s7 =	sld [smem:$0x3F9A]  }
0x1a: {  	s8 =	sadd.s32 $0xFFFFE003, lr  }
0x1b: {  	s9 =	sadd.s32 $0xFFFFFEF7, lr;
	s5 =	simm.s32 $0xFFFFFFFF;
	p2 =	slt.u32 s8, $0xFFFFF086  }
0x1c: {  	p1 =	slt.u32 s9, $0xF7A;
	s5 =	simm.s32 @!p2 $0x0  }
0x1d: {  	s5 =	simm.s32 @p1 $0x1;
	p0 =	seq.s32 s7, s2  }
0x1e: {  	s7 =	smul.u32 @!p0 $0xF7A, s2;
	p2 =	seq.s32 @!p0 s5, $0x0  }
0x1f: {  	s9 =	smul.u32 $0xF7A, s1;
	s8 =	simm.s32 @!p0 $0x1BF5;
	p2 =	por !p2, p0  }
0x20: {  	[sflag:s8] =	ssyncset.s32 @!p0 $0xFFFFF086;
	s6 =	sadd.s32 @!p0 s3, s7;
	s7 =	simm.s32 @!p0 $0x108  }
0x21: {  	s3 =	sadd.s32 s3, s9;
	s6 =	sadd.s32 @!p0 $0x88, s6;
	s7 =	simm.s32 @p2 $0x1082  }
0x22: {  	[simem:s7], [sflag:s8] =	dma.local @!p0 [hbm:s6], $0xF7A  }
0x23: {  	s9 =	sor.u32 $0xD0000000, s2;
	s6 =	simm.s32 $0x108;
	_ =	swait.ge @!p0 [sflag:s8], $0x0  }
0x24: {  	s3 =	sadd.s32 $0x88, s3;
	s6 =	simm.s32 @!p1 $0x1082;
	[sflag:s4] =	ssyncset.s32 $0xFFFFF086  }
0x25: {  	[simem:s6], [sflag:s4] =	dma.local [hbm:s3], $0xF7A  }
0x26: {  	[smem:$0x3F9A] =	sst s1;
	(tag) =	ssettag s2;
	_ =	strace s9  }
0x27: {  	s1 =	sld [smem:$0x3FAA]  }
0x28: {  	s2 =	sld [smem:$0x3FAB]  }
0x29: {  	s4 =	sld [smem:$0x3FAD]  }
0x2a: {  	p0 =	seq.s32 s5, $0x0;
	s5 =	sld [smem:$0x3FAE]  }
0x2b: {  	s6 =	sld [smem:$0x3FAF]  }
0x2c: {  	s7 =	sld [smem:$0x3FB0]  }
0x2d: {  	s3 =	simm.s32 $0x108;
	s8 =	sld [smem:$0x3FB1]  }
0x2e: {  	s3 =	simm.s32 @!p0 $0x1082;
	s9 =	sld [smem:$0x3FB2]  }
0x2f: {  	lr =	sadd.s32 s0, s3;
	s0 =	sld [smem:$0x3FA9]  }
0x30: {  	s3 =	sld [smem:$0x3FAC]  }
0x31: {  	[smem:$0x3FB5] =	sst s10  }
0x32: {  	s10 =	sld [smem:$0x3FB3];
	_ =	sdelay $0x3  }
0x33: {  	p0 =	seq.s32 s10, $0x1;
	s10 =	sld [smem:$0x3FB5];
	_ =	sdelay $0x3  }
0x34: {  	[smem:$0x3FB5] =	sst s10  }
0x35: {  	s10 =	sld [smem:$0x3FB4];
	_ =	sdelay $0x3  }
0x36: {  	p1 =	seq.s32 s10, $0x1;
	s10 =	sld [smem:$0x3FB5];
	_ =	sdelay $0x3  }
0x37: {  	[smem:$0x3FB5] =	sst s10  }
0x38: {  	s10 =	sld [smem:$0x3FB6]  }
0x39: {  	_ = 	snop;
	(pc) =	sbr.ind lr, $3  }
0x3a: {  	_ = 	snop  }
0x3b: {  	_ = 	snop  }
0x3c: {  	p2 =	seq.s32 s10, $0x1;
	s10 =	sld [smem:$0x3FB5]  }
0x3d: {  	_ =	shalt  }
0x3e: {  	_ =	shalt  }
0x3f: {  	_ =	shalt  }
0x40: {  	_ =	shalt  }
0x41: {  	_ =	shalt  }
0x42: {  	_ =	shalt  }
0x43: {  	_ =	shalt  }
0x44: {  	_ =	shalt  }
0x45: {  	_ =	shalt  }
0x46: {  	_ =	shalt  }
0x47: {  	_ =	shalt  }
0x48: {  	_ =	shalt  }
0x49: {  	_ =	shalt  }
0x4a: {  	_ =	shalt  }
0x4b: {  	_ =	shalt  }
0x4c: {  	_ =	shalt  }
0x4d: {  	_ =	shalt  }
0x4e: {  	_ =	shalt  }
0x4f: {  	_ =	shalt  }
0x50: {  	_ =	shalt  }
0x51: {  	_ =	shalt  }
0x52: {  	_ =	shalt  }
0x53: {  	_ =	shalt  }
0x54: {  	_ =	shalt  }
0x55: {  	_ =	shalt  }
0x56: {  	_ =	shalt  }
0x57: {  	_ =	shalt  }
0x58: {  	_ =	shalt  }
0x59: {  	_ =	shalt  }
0x5a: {  	_ =	shalt  }
0x5b: {  	_ =	shalt  }
0x5c: {  	_ =	shalt  }
0x5d: {  	_ =	shalt  }
0x5e: {  	_ =	shalt  }
0x5f: {  	_ =	shalt  }
0x60: {  	_ =	shalt  }
0x61: {  	_ =	shalt  }
0x62: {  	_ =	shalt  }
0x63: {  	_ =	shalt  }
0x64: {  	_ =	shalt  }
0x65: {  	_ =	shalt  }
0x66: {  	_ =	shalt  }
0x67: {  	_ =	shalt  }
0x68: {  	_ =	shalt  }
0x69: {  	_ =	shalt  }
0x6a: {  	_ =	shalt  }
0x6b: {  	_ =	shalt  }
0x6c: {  	_ =	shalt  }
0x6d: {  	_ =	shalt  }
0x6e: {  	_ =	shalt  }
0x6f: {  	_ =	shalt  }
0x70: {  	_ =	shalt  }
0x71: {  	_ =	shalt  }
0x72: {  	_ =	shalt  }
0x73: {  	_ =	shalt  }
0x74: {  	_ =	shalt  }
0x75: {  	_ =	shalt  }
0x76: {  	_ =	shalt  }
0x77: {  	_ =	shalt  }
0x78: {  	_ =	shalt  }
0x79: {  	_ =	shalt  }
0x7a: {  	_ =	shalt  }
0x7b: {  	_ =	shalt  }
0x7c: {  	_ =	shalt  }
0x7d: {  	_ =	shalt  }
0x7e: {  	_ =	shalt  }
0x7f: {  	_ =	shalt  }
0x80: {  	_ =	shalt  }
0x81: {  	_ =	shalt  }
0x82: {  	_ =	shalt  }
0x83: {  	_ =	shalt  }
0x84: {  	_ =	shalt  }
0x85: {  	_ =	shalt  }
0x86: {  	_ =	shalt  }
0x87: {  	_ =	shalt  }
.Lfunc_end0:
.L_simem_size_0:
called_computation.1_lowered:
.L_overlay_start_0:
0x88: {  	s2 =	sld [smem:$0x3FD9]  }
0x89: {  	s3 =	sld [smem:$0x3FFE];
	_ =	sdelay $0x1  }
0x8a: {  	s1 =	srdreg.scid  }
0x8b: {  	s0 =	sand.u32 $0x1, s1  }
0x8c: {  	s14 =	sshll.u32 s0, $0xA;
	s2 =	sadd.s32 s3, s2  }
0x8d: {  	s2 =	sadd.s32 s2, s14  }
0x8e: {  	[smem:$0x3FC1] =	sst s2  }
0x8f: {  	_ = 	snop  }
0x90: {  	s2 =	sld [smem:$0x3FD0];
	_ =	sdelay $0x2  }
0x91: {  	s15 =	simm.s32 $0xA;
	s4 =	simm.s32 $0x10  }
0x92: {  	[smem:s4], [sflag:s15] =	dma.local [hbm:s2], $0x1  }
0x93: {  	_ =	swait.eq [sflag:s15], $0x1  }
0x94: {  	[sflag:s15] =	ssyncset.done $0x0  }
0x95: {  	[sflag:s15] =	ssyncadd.s32 $0xFFFFFFFF  }
0x96: {  	s16 =	sld [smem:$0x10];
	(tm) =	ssettm $0x1  }
0x97: {  	s17 =	sld [smem:$0x3FFB];
	_ =	sdelay $0x3  }
0x98: {  	_ =	strace s17  }
0x99: {  	s3 =	sld [smem:$0x3FFC];
	_ =	sdelay $0x3  }
0x9a: {  	_ =	strace s3  }
0x9b: {  	s3 =	sld [smem:$0x3FFD];
	_ =	sdelay $0x3  }
0x9c: {  	_ =	strace s3  }
0x9d: {  	_ =	strace $0x8FFFFFFF  }
0x9e: {  	s18 =	sld [smem:$0x3FDB];
	_ =	sdelay $0x1  }
0x9f: {  	s19 =	simm.s32 $_scs_section_size  }
0xa0: {  	s5 =	simm.s32 $_size__tile_overlayer_lowered;
	s6 =	simm.s32 $_tile_overlayer_lowered  }
0xa1: {  	s22 =	simm.s32 $0x1BFF;
	s21 =	sshll.u32 s6, $0x1;
	s3 =	sadd.s32 s19, s18  }
0xa2: {  	s7 =	simm.s32 $0x0;
	s20 =	sshll.u32 s5, $0x1;
	s5 =	sadd.s32 s21, s3  }
0xa3: {  	[timem:s7], [sflag:s22] =	dma.local [hbm:s5], s20  }
0xa4: {  	_ =	swait.ge [sflag:s22], s20  }
0xa5: {  	s4 =	ssub.s32 $0x0, s20;
	[sflag:s22] =	ssyncset.done $0x0  }
0xa6: {  	[sflag:s22] =	ssyncadd.s32 s4;
	_ =	sdelay $0x1  }
0xa7: {  	s23 =	simm.s32 $0x1B8B  }
0xa8: {  	_ =	swait.ge [sflag:s23], $0x1  }
0xa9: {  	[sflag:s23] =	ssyncset.done $0x0  }
0xaa: {  	s25 =	simm.s32 $0x1B8E;
	s24 =	sld [smem:$0x3FFE];
	[sflag:s23] =	ssyncadd.s32 $0xFFFFFFFF  }
0xab: {  	s26 =	simm.s32 $execute0_lowered;
	[smem:$0x3FD2] =	sst s25  }
0xac: {  	s5 =	sshll.u32 s26, $0x1;
	_ =	strace $0x80000049;
	[dreg:$0x1] =	wrdreg $0xFFFFFFFF  }
0xad: {  	s28 =	simm.s32 $_size_execute0_lowered;
	s3 =	sadd.s32 s3, s5;
	[dreg:$0x0] =	wrdreg $0x0  }
0xae: {  	s5 =	sshll.u32 s28, $0x1;
	[dreg:$0x2] =	wrdreg s3  }
0xaf: {  	[dreg:$0x3] =	wrdreg s5  }
0xb0: {  	[dreg:$0x4] =	wrdreg $0xC0  }
0xb1: {  	_ =	task [dreg:s7], $0x5FFFF  }
0xb2: {  	[dreg:$0x1] =	wrdreg $0xFFFFFFFF  }
0xb3: {  	[dreg:$0x0] =	wrdreg $0x60  }
0xb4: {  	[dreg:$0x2] =	wrdreg s24  }
0xb5: {  	[dreg:$0x3] =	wrdreg s16  }
0xb6: {  	[dreg:$0x4] =	wrdreg $0x9  }
0xb7: {  	_ =	task.clear_ibuf [dreg:s7], $0x5FFFF;
	_ =	strace $0x90000049  }
0xb8: {  	s29 =	simm.s32 $0x9;
	_ =	strace $0x8000004B  }
0xb9: {  	_ =	swait.ge [sflag:s29], $0x1  }
0xba: {  	[sflag:s29] =	ssyncadd.s32 $0xFFFFFFFF  }
0xbb: {  	_ =	strace $0x9000004B  }
0xbc: {  	_ =	sfence  }
0xbd: {  	s30 =	sld [smem:$0x0];
	_ =	sdelay $0x2  }
0xbe: {  	s31 =	sshll.u32 s1, $0xD;
	s1 =	sshrl.u32 s1, $0x2  }
0xbf: {  	s3 =	sand.u32 $0x4000, s31;
	s1 =	sadd.s32 s1, s30  }
0xc0: {  	s0 =	sor.u32 s3, s0;
	s1 =	sshll.u32 s1, $0x11  }
0xc1: {  	s0 =	sor.u32 s1, s0  }
0xc2: {  	s0 =	sadd.s32 $0x8F2B, s0  }
0xc3: {  	[sflag:s0] =	ssyncadd.remote.s32 $0x1  }
0xc4: {  	_ =	sfence.sel $0xFFFF  }
0xc5: {  	[dreg:$0x0] =	wrdreg $0xFFFFFFFF;
	(pc) =	sbr.abs _section_cstart, $3  }
0xc6: {  	[dreg:$0x1] =	wrdreg $0xFFFFFFFF  }
0xc7: {  	_ =	task.clear_ibuf [dreg:s7], $0x2FFFF;
	_ =	strace $0x9FFFFFFF  }
0xc8: {  	(tm) =	ssettm $0x7FFFFFFF  }
0xc9: {  	_ =	shalt  }
tec
execute0_lowered:
.L_overlay_start_1:
0x0: {  	(tag) =	ssettag $0x1  }
0x1: {  	s0 =	rddreg [dreg:$0x0];
	s1 =	srdreg.scid  }
0x2: {  	s2 =	stileid.u32;
	s4 =	rddreg [dreg:$0x1];
	s9 =	simm.s32 $0x1  }
0x3: {  	s21 =	simm.s32 $0x3;
	s22 =	simm.s32 $0x4;
	s24 =	simm.s32 $0xA00  }
0x4: {  	s28 =	simm.s32 $0x1A00;
	s29 =	simm.s32 $0x2200;
	s30 =	simm.s32 $0x2A00  }
0x5: {  	s31 =	simm.s32 $0x3200;
	s11 =	simm.s32 $0x4A00;
	s12 =	simm.s32 $0x5200  }
0x6: {  	s13 =	simm.s32 $0x5A00;
	s14 =	simm.s32 $0x6200;
	s15 =	simm.s32 $0x6A00  }
0x7: {  	s16 =	simm.s32 $0x7200;
	s17 =	simm.s32 $0x7A00;
	s20 =	simm.s32 $0x8200  }
0x8: {  	s18 =	simm.s32 $0x8A00;
	s1 =	sand.u32 $0x1, s1;
	s3 =	sshll.u32 s2, $0x1  }
0x9: {  	s19 =	simm.s32 $0x9200;
	s2 =	simm.s32 $0x0;
	s5 =	sor.u32 s1, s3  }
0xa: {  	[smem:$0x7FF] =	sst s2;
	s1 =	ssub.s32 $0x2, s1;
	s3 =	sshll.u32 s5, $0x6  }
0xb: {  	_ =	strace $0x8000004A;
	s7 =	sshrl.u32 s1, $0x1;
	s5 =	sshll.u32 s5, $0xE  }
0xc: {  	s6 =	sadd.s32 s3, s0;
	s3 =	sadd.s32 $0x102600, s0;
	s8 =	sadd.s32 s4, s5  }
0xd: {  	s1 =	ssub.s32 s1, s7;
	s6 =	sadd.s32 $0x11E00, s6;
	[dreg:$0x7] =	wrdreg s8  }
0xe: {  	s5 =	sadd.s32 $0x102700, s0;
	s4 =	sadd.s32 $0x1000, s8;
	[dreg:$0x3] =	wrdreg s6  }
0xf: {  	s7 =	sadd.s32 $0x102900, s0;
	s25 =	sadd.s32 $0x2000, s8;
	[dreg:$0x4] =	wrdreg s4  }
0x10: {  	v2 =	vlaneseq.u32;
	s26 =	sadd.s32 $0x3000, s8;
	s8 =	smax.u32 s1, $0x1;
	[dreg:$0x5] =	wrdreg s25  }
0x11: {  	vm0 =	vmmov $0xffff;
	v1 =	vshrl.u32 v2, $0x3;
	s1 =	simm.s32 $0x3A00;
	s6 =	sadd.s32 $0x102800, s0;
	[dreg:$0x6] =	wrdreg s26  }
0x12: {  	v0 =	vand.u32 $0x7, v2;
	v2 =	vor.u32 $0x8, v2;
	v1 =	vmul.u32 $0x8, v1;
	s4 =	simm.s32 $0x2;
	s26 =	simm.s32 $0x200;
	s25 =	simm.s32 $0x1200  }
.LBB2_1:
0x13: {  	s23 =	rddreg [dreg:$0x3];
	s0 =	simm.s32 $0x5  }
0x14: {  	[tilespmem:s2], [sflag:$0x5] =	stream.linear.gather [hbm4b:s23+s2], $0x200, $0x38;
	[tilespmem:$0x10200] =	vst v63  }
0x15: {  	_ =	swait.ge [sflag:s0], $0x200  }
0x16: {  	[sflag:s0] =	ssyncset.done $0x0  }
0x17: {  	[sflag:s0] =	ssyncadd.s32 $0xFFFFFE00  }
0x18: {  	v3 =	vld [tilespmem:$0x0];
	_ =	sdelay $0x4  }
0x19: {  	v4 =	vshll.u32 v3, $0x3  }
0x1a: {  	v3 =	vand.u32 $0x7, v3;
	v4 =	vand.u32 $0xFFFFFFC0, v4  }
0x1b: {  	v3 =	vor.u32 v3, v4  }
0x1c: {  	v4 =	vperm.xlane v3, v0;
	_ =	sdelay $0x1  }
0x1d: {  	v4 =	vadd.s32 v1, v4;
	_ =	sdelay $0x4  }
0x1e: {  	[tilespmem:s26], [sflag:$0x1] =	stream.indirect_vreg.gather [hbm4b:s3+s2], $0x80, v4, vm0, $0xb8;
	[tilespmem:$0x10200] =	vst v63  }
0x1f: {  	v3 =	vperm.xlane v3, v2  }
0x20: {  	[tilespmem:s24], [sflag:$0x1] =	stream.indirect_vreg.gather [hbm4b:s5+s2], $0x80, v4, vm0, $0xb8;
	[tilespmem:$0x10200] =	vst v63  }
0x21: {  	v3 =	vadd.s32 v1, v3  }
0x22: {  	[tilespmem:s25], [sflag:$0x1] =	stream.indirect_vreg.gather [hbm4b:s6+s2], $0x80, v4, vm0, $0xb8;
	[tilespmem:$0x10200] =	vst v63  }
0x23: {  	_ = 	snop  }
0x24: {  	[tilespmem:s28], [sflag:$0x1] =	stream.indirect_vreg.gather [hbm4b:s7+s2], $0x80, v4, vm0, $0xb8;
	[tilespmem:$0x10200] =	vst v63  }
0x25: {  	_ = 	snop  }
0x26: {  	[tilespmem:s29], [sflag:$0x1] =	stream.indirect_vreg.gather [hbm4b:s3+s2], $0x80, v3, vm0, $0xb8;
	[tilespmem:$0x10200] =	vst v63  }
0x27: {  	_ = 	snop  }
0x28: {  	[tilespmem:s30], [sflag:$0x1] =	stream.indirect_vreg.gather [hbm4b:s5+s2], $0x80, v3, vm0, $0xb8;
	[tilespmem:$0x10200] =	vst v63  }
0x29: {  	_ = 	snop  }
0x2a: {  	[tilespmem:s31], [sflag:$0x1] =	stream.indirect_vreg.gather [hbm4b:s6+s2], $0x80, v3, vm0, $0xb8;
	[tilespmem:$0x10200] =	vst v63  }
0x2b: {  	_ = 	snop  }
0x2c: {  	[tilespmem:s1], [sflag:$0x1] =	stream.indirect_vreg.gather [hbm4b:s7+s2], $0x80, v3, vm0, $0xb8;
	[tilespmem:$0x10200] =	vst v63  }
0x2d: {  	v3 =	vld [tilespmem:$0x10];
	_ =	sdelay $0x4  }
0x2e: {  	v57 =	vshll.u32 v3, $0x3  }
0x2f: {  	v3 =	vand.u32 $0x7, v3;
	v4 =	vand.u32 $0xFFFFFFC0, v57  }
0x30: {  	v3 =	vor.u32 v3, v4  }
0x31: {  	v4 =	vperm.xlane v3, v0;
	_ =	sdelay $0x1  }
0x32: {  	v4 =	vadd.s32 v1, v4;
	_ =	sdelay $0x3  }
0x33: {  	s0 =	simm.s32 $0x4200  }
0x34: {  	[tilespmem:s0], [sflag:$0x1] =	stream.indirect_vreg.gather [hbm4b:s3+s2], $0x80, v4, vm0, $0xb8;
	[tilespmem:$0x10200] =	vst v63  }
0x35: {  	v3 =	vperm.xlane v3, v2  }
0x36: {  	[tilespmem:s11], [sflag:$0x1] =	stream.indirect_vreg.gather [hbm4b:s5+s2], $0x80, v4, vm0, $0xb8;
	[tilespmem:$0x10200] =	vst v63  }
0x37: {  	v3 =	vadd.s32 v1, v3  }
0x38: {  	[tilespmem:s12], [sflag:$0x1] =	stream.indirect_vreg.gather [hbm4b:s6+s2], $0x80, v4, vm0, $0xb8;
	[tilespmem:$0x10200] =	vst v63  }
0x39: {  	_ = 	snop  }
0x3a: {  	[tilespmem:s13], [sflag:$0x1] =	stream.indirect_vreg.gather [hbm4b:s7+s2], $0x80, v4, vm0, $0xb8;
	[tilespmem:$0x10200] =	vst v63  }
0x3b: {  	_ = 	snop  }
0x3c: {  	[tilespmem:s14], [sflag:$0x1] =	stream.indirect_vreg.gather [hbm4b:s3+s2], $0x80, v3, vm0, $0xb8;
	[tilespmem:$0x10200] =	vst v63  }
0x3d: {  	_ = 	snop  }
0x3e: {  	[tilespmem:s15], [sflag:$0x1] =	stream.indirect_vreg.gather [hbm4b:s5+s2], $0x80, v3, vm0, $0xb8;
	[tilespmem:$0x10200] =	vst v63  }
0x3f: {  	_ = 	snop  }
0x40: {  	[tilespmem:s16], [sflag:$0x1] =	stream.indirect_vreg.gather [hbm4b:s6+s2], $0x80, v3, vm0, $0xb8;
	[tilespmem:$0x10200] =	vst v63  }
0x41: {  	_ = 	snop  }
0x42: {  	[tilespmem:s17], [sflag:$0x1] =	stream.indirect_vreg.gather [hbm4b:s7+s2], $0x80, v3, vm0, $0xb8;
	[tilespmem:$0x10200] =	vst v63  }
0x43: {  	v3 =	vld [tilespmem:$0x80];
	_ =	sdelay $0x4  }
0x44: {  	v58 =	vshll.u32 v3, $0x3  }
0x45: {  	v3 =	vand.u32 $0x7, v3;
	v4 =	vand.u32 $0xFFFFFFC0, v58  }
0x46: {  	v3 =	vor.u32 v3, v4  }
0x47: {  	v4 =	vperm.xlane v3, v0;
	_ =	sdelay $0x1  }
0x48: {  	v4 =	vadd.s32 v1, v4;
	_ =	sdelay $0x4  }
0x49: {  	[tilespmem:s20], [sflag:$0x2] =	stream.indirect_vreg.gather [hbm4b:s3+s2], $0x80, v4, vm0, $0xb8;
	[tilespmem:$0x10200] =	vst v63  }
0x4a: {  	v3 =	vperm.xlane v3, v2  }
0x4b: {  	[tilespmem:s18], [sflag:$0x2] =	stream.indirect_vreg.gather [hbm4b:s5+s2], $0x80, v4, vm0, $0xb8;
	[tilespmem:$0x10200] =	vst v63  }
0x4c: {  	v3 =	vadd.s32 v1, v3  }
0x4d: {  	[tilespmem:s19], [sflag:$0x2] =	stream.indirect_vreg.gather [hbm4b:s6+s2], $0x80, v4, vm0, $0xb8;
	[tilespmem:$0x10200] =	vst v63  }
0x4e: {  	s10 =	simm.s32 $0x9A00  }
0x4f: {  	[tilespmem:s10], [sflag:$0x2] =	stream.indirect_vreg.gather [hbm4b:s7+s2], $0x80, v4, vm0, $0xb8;
	[tilespmem:$0x10200] =	vst v63  }
0x50: {  	s10 =	simm.s32 $0xA200  }
0x51: {  	[tilespmem:s10], [sflag:$0x2] =	stream.indirect_vreg.gather [hbm4b:s3+s2], $0x80, v3, vm0, $0xb8;
	[tilespmem:$0x10200] =	vst v63  }
0x52: {  	s23 =	simm.s32 $0xAA00  }
0x53: {  	[tilespmem:s23], [sflag:$0x2] =	stream.indirect_vreg.gather [hbm4b:s5+s2], $0x80, v3, vm0, $0xb8;
	[tilespmem:$0x10200] =	vst v63  }
0x54: {  	s23 =	simm.s32 $0xB200  }
0x55: {  	[tilespmem:s23], [sflag:$0x2] =	stream.indirect_vreg.gather [hbm4b:s6+s2], $0x80, v3, vm0, $0xb8;
	[tilespmem:$0x10200] =	vst v63  }
0x56: {  	s23 =	simm.s32 $0xBA00  }
0x57: {  	[tilespmem:s23], [sflag:$0x2] =	stream.indirect_vreg.gather [hbm4b:s7+s2], $0x80, v3, vm0, $0xb8;
	[tilespmem:$0x10200] =	vst v63  }
0x58: {  	v3 =	vld [tilespmem:$0x90];
	_ =	sdelay $0x4  }
0x59: {  	v59 =	vshll.u32 v3, $0x3  }
0x5a: {  	v3 =	vand.u32 $0x7, v3;
	v4 =	vand.u32 $0xFFFFFFC0, v59  }
0x5b: {  	v3 =	vor.u32 v3, v4  }
0x5c: {  	v4 =	vperm.xlane v3, v0;
	_ =	sdelay $0x1  }
0x5d: {  	v4 =	vadd.s32 v1, v4;
	_ =	sdelay $0x3  }
0x5e: {  	s23 =	simm.s32 $0xC200  }
0x5f: {  	[tilespmem:s23], [sflag:$0x2] =	stream.indirect_vreg.gather [hbm4b:s3+s2], $0x80, v4, vm0, $0xb8;
	[tilespmem:$0x10200] =	vst v63  }
0x60: {  	v3 =	vperm.xlane v3, v2;
	s23 =	simm.s32 $0xCA00  }
0x61: {  	[tilespmem:s23], [sflag:$0x2] =	stream.indirect_vreg.gather [hbm4b:s5+s2], $0x80, v4, vm0, $0xb8;
	[tilespmem:$0x10200] =	vst v63  }
0x62: {  	v3 =	vadd.s32 v1, v3;
	s23 =	simm.s32 $0xD200  }
0x63: {  	[tilespmem:s23], [sflag:$0x2] =	stream.indirect_vreg.gather [hbm4b:s6+s2], $0x80, v4, vm0, $0xb8;
	[tilespmem:$0x10200] =	vst v63  }
0x64: {  	s23 =	simm.s32 $0xDA00  }
0x65: {  	[tilespmem:s23], [sflag:$0x2] =	stream.indirect_vreg.gather [hbm4b:s7+s2], $0x80, v4, vm0, $0xb8;
	[tilespmem:$0x10200] =	vst v63  }
0x66: {  	s23 =	simm.s32 $0xE200  }
0x67: {  	[tilespmem:s23], [sflag:$0x2] =	stream.indirect_vreg.gather [hbm4b:s3+s2], $0x80, v3, vm0, $0xb8;
	[tilespmem:$0x10200] =	vst v63  }
0x68: {  	s23 =	simm.s32 $0xEA00  }
0x69: {  	[tilespmem:s23], [sflag:$0x2] =	stream.indirect_vreg.gather [hbm4b:s5+s2], $0x80, v3, vm0, $0xb8;
	[tilespmem:$0x10200] =	vst v63  }
0x6a: {  	s23 =	simm.s32 $0xF200  }
0x6b: {  	[tilespmem:s23], [sflag:$0x2] =	stream.indirect_vreg.gather [hbm4b:s6+s2], $0x80, v3, vm0, $0xb8;
	[tilespmem:$0x10200] =	vst v63  }
0x6c: {  	s23 =	simm.s32 $0xFA00  }
0x6d: {  	[tilespmem:s23], [sflag:$0x2] =	stream.indirect_vreg.gather [hbm4b:s7+s2], $0x80, v3, vm0, $0xb8;
	[tilespmem:$0x10200] =	vst v63  }
0x6e: {  	_ =	swait.ge [sflag:s9], $0x8000  }
0x6f: {  	[sflag:s9] =	ssyncset.done $0x0  }
0x70: {  	s23 =	rddreg [dreg:$0x7];
	[sflag:s9] =	ssyncadd.s32 $0xFFFF8000  }
0x71: {  	[hbm4b:s23+s2] =	stream.linear.scatter [tilespmem:s26], [sflag:$0x3], $0x8000, $0x38;
	[tilespmem:$0x10200] =	vst v63  }
0x72: {  	_ =	swait.ge [sflag:s21], $0x8000  }
0x73: {  	[sflag:s21] =	ssyncset.done $0x0  }
0x74: {  	[sflag:s21] =	ssyncadd.s32 $0xFFFF8000  }
0x75: {  	v3 =	vld [tilespmem:$0x100];
	_ =	sdelay $0x4  }
0x76: {  	v60 =	vshll.u32 v3, $0x3  }
0x77: {  	v3 =	vand.u32 $0x7, v3;
	v4 =	vand.u32 $0xFFFFFFC0, v60  }
0x78: {  	v3 =	vor.u32 v3, v4  }
0x79: {  	v4 =	vperm.xlane v3, v0;
	_ =	sdelay $0x1  }
0x7a: {  	v4 =	vadd.s32 v1, v4;
	_ =	sdelay $0x4  }
0x7b: {  	[tilespmem:s26], [sflag:$0x1] =	stream.indirect_vreg.gather [hbm4b:s3+s2], $0x80, v4, vm0, $0xb8;
	[tilespmem:$0x10200] =	vst v63  }
0x7c: {  	v3 =	vperm.xlane v3, v2  }
0x7d: {  	[tilespmem:s24], [sflag:$0x1] =	stream.indirect_vreg.gather [hbm4b:s5+s2], $0x80, v4, vm0, $0xb8;
	[tilespmem:$0x10200] =	vst v63  }
0x7e: {  	v3 =	vadd.s32 v1, v3  }
0x7f: {  	[tilespmem:s25], [sflag:$0x1] =	stream.indirect_vreg.gather [hbm4b:s6+s2], $0x80, v4, vm0, $0xb8;
	[tilespmem:$0x10200] =	vst v63  }
0x80: {  	_ = 	snop  }
0x81: {  	[tilespmem:s28], [sflag:$0x1] =	stream.indirect_vreg.gather [hbm4b:s7+s2], $0x80, v4, vm0, $0xb8;
	[tilespmem:$0x10200] =	vst v63  }
0x82: {  	_ = 	snop  }
0x83: {  	[tilespmem:s29], [sflag:$0x1] =	stream.indirect_vreg.gather [hbm4b:s3+s2], $0x80, v3, vm0, $0xb8;
	[tilespmem:$0x10200] =	vst v63  }
0x84: {  	_ = 	snop  }
0x85: {  	[tilespmem:s30], [sflag:$0x1] =	stream.indirect_vreg.gather [hbm4b:s5+s2], $0x80, v3, vm0, $0xb8;
	[tilespmem:$0x10200] =	vst v63  }
0x86: {  	_ = 	snop  }
0x87: {  	[tilespmem:s31], [sflag:$0x1] =	stream.indirect_vreg.gather [hbm4b:s6+s2], $0x80, v3, vm0, $0xb8;
	[tilespmem:$0x10200] =	vst v63  }
0x88: {  	_ = 	snop  }
0x89: {  	[tilespmem:s1], [sflag:$0x1] =	stream.indirect_vreg.gather [hbm4b:s7+s2], $0x80, v3, vm0, $0xb8;
	[tilespmem:$0x10200] =	vst v63  }
0x8a: {  	v3 =	vld [tilespmem:$0x110];
	_ =	sdelay $0x4  }
0x8b: {  	v61 =	vshll.u32 v3, $0x3  }
0x8c: {  	v3 =	vand.u32 $0x7, v3;
	v4 =	vand.u32 $0xFFFFFFC0, v61  }
0x8d: {  	v3 =	vor.u32 v3, v4  }
0x8e: {  	v4 =	vperm.xlane v3, v0;
	_ =	sdelay $0x1  }
0x8f: {  	v4 =	vadd.s32 v1, v4;
	_ =	sdelay $0x4  }
0x90: {  	[tilespmem:s0], [sflag:$0x1] =	stream.indirect_vreg.gather [hbm4b:s3+s2], $0x80, v4, vm0, $0xb8;
	[tilespmem:$0x10200] =	vst v63  }
0x91: {  	v3 =	vperm.xlane v3, v2  }
0x92: {  	[tilespmem:s11], [sflag:$0x1] =	stream.indirect_vreg.gather [hbm4b:s5+s2], $0x80, v4, vm0, $0xb8;
	[tilespmem:$0x10200] =	vst v63  }
0x93: {  	v3 =	vadd.s32 v1, v3  }
0x94: {  	[tilespmem:s12], [sflag:$0x1] =	stream.indirect_vreg.gather [hbm4b:s6+s2], $0x80, v4, vm0, $0xb8;
	[tilespmem:$0x10200] =	vst v63  }
0x95: {  	_ = 	snop  }
0x96: {  	[tilespmem:s13], [sflag:$0x1] =	stream.indirect_vreg.gather [hbm4b:s7+s2], $0x80, v4, vm0, $0xb8;
	[tilespmem:$0x10200] =	vst v63  }
0x97: {  	_ = 	snop  }
0x98: {  	[tilespmem:s14], [sflag:$0x1] =	stream.indirect_vreg.gather [hbm4b:s3+s2], $0x80, v3, vm0, $0xb8;
	[tilespmem:$0x10200] =	vst v63  }
0x99: {  	_ = 	snop  }
0x9a: {  	[tilespmem:s15], [sflag:$0x1] =	stream.indirect_vreg.gather [hbm4b:s5+s2], $0x80, v3, vm0, $0xb8;
	[tilespmem:$0x10200] =	vst v63  }
0x9b: {  	_ = 	snop  }
0x9c: {  	[tilespmem:s16], [sflag:$0x1] =	stream.indirect_vreg.gather [hbm4b:s6+s2], $0x80, v3, vm0, $0xb8;
	[tilespmem:$0x10200] =	vst v63  }
0x9d: {  	_ = 	snop  }
0x9e: {  	[tilespmem:s17], [sflag:$0x1] =	stream.indirect_vreg.gather [hbm4b:s7+s2], $0x80, v3, vm0, $0xb8;
	[tilespmem:$0x10200] =	vst v63  }
0x9f: {  	_ =	swait.ge [sflag:s4], $0x8000  }
0xa0: {  	[sflag:s4] =	ssyncset.done $0x0  }
0xa1: {  	s0 =	rddreg [dreg:$0x4];
	[sflag:s4] =	ssyncadd.s32 $0xFFFF8000  }
0xa2: {  	[hbm4b:s0+s2] =	stream.linear.scatter [tilespmem:s20], [sflag:$0x4], $0x8000, $0x38;
	[tilespmem:$0x10200] =	vst v63  }
0xa3: {  	_ =	swait.ge [sflag:s22], $0x8000  }
0xa4: {  	[sflag:s22] =	ssyncset.done $0x0  }
0xa5: {  	[sflag:s22] =	ssyncadd.s32 $0xFFFF8000  }
0xa6: {  	v3 =	vld [tilespmem:$0x180];
	_ =	sdelay $0x4  }
0xa7: {  	v62 =	vshll.u32 v3, $0x3  }
0xa8: {  	v3 =	vand.u32 $0x7, v3;
	v4 =	vand.u32 $0xFFFFFFC0, v62  }
0xa9: {  	v3 =	vor.u32 v3, v4  }
0xaa: {  	v4 =	vperm.xlane v3, v0;
	_ =	sdelay $0x1  }
0xab: {  	v4 =	vadd.s32 v1, v4;
	_ =	sdelay $0x4  }
0xac: {  	[tilespmem:s20], [sflag:$0x2] =	stream.indirect_vreg.gather [hbm4b:s3+s2], $0x80, v4, vm0, $0xb8;
	[tilespmem:$0x10200] =	vst v63  }
0xad: {  	v3 =	vperm.xlane v3, v2  }
0xae: {  	[tilespmem:s18], [sflag:$0x2] =	stream.indirect_vreg.gather [hbm4b:s5+s2], $0x80, v4, vm0, $0xb8;
	[tilespmem:$0x10200] =	vst v63  }
0xaf: {  	v3 =	vadd.s32 v1, v3  }
0xb0: {  	[tilespmem:s19], [sflag:$0x2] =	stream.indirect_vreg.gather [hbm4b:s6+s2], $0x80, v4, vm0, $0xb8;
	[tilespmem:$0x10200] =	vst v63  }
0xb1: {  	s23 =	simm.s32 $0x9A00  }
0xb2: {  	[tilespmem:s23], [sflag:$0x2] =	stream.indirect_vreg.gather [hbm4b:s7+s2], $0x80, v4, vm0, $0xb8;
	[tilespmem:$0x10200] =	vst v63  }
0xb3: {  	_ = 	snop  }
0xb4: {  	[tilespmem:s10], [sflag:$0x2] =	stream.indirect_vreg.gather [hbm4b:s3+s2], $0x80, v3, vm0, $0xb8;
	[tilespmem:$0x10200] =	vst v63  }
0xb5: {  	s23 =	simm.s32 $0xAA00  }
0xb6: {  	[tilespmem:s23], [sflag:$0x2] =	stream.indirect_vreg.gather [hbm4b:s5+s2], $0x80, v3, vm0, $0xb8;
	[tilespmem:$0x10200] =	vst v63  }
0xb7: {  	s10 =	simm.s32 $0xB200  }
0xb8: {  	[tilespmem:s10], [sflag:$0x2] =	stream.indirect_vreg.gather [hbm4b:s6+s2], $0x80, v3, vm0, $0xb8;
	[tilespmem:$0x10200] =	vst v63  }
0xb9: {  	s23 =	simm.s32 $0xBA00  }
0xba: {  	[tilespmem:s23], [sflag:$0x2] =	stream.indirect_vreg.gather [hbm4b:s7+s2], $0x80, v3, vm0, $0xb8;
	[tilespmem:$0x10200] =	vst v63  }
0xbb: {  	v3 =	vld [tilespmem:$0x190];
	_ =	sdelay $0x4  }
0xbc: {  	v63 =	vshll.u32 v3, $0x3  }
0xbd: {  	v3 =	vand.u32 $0x7, v3;
	v4 =	vand.u32 $0xFFFFFFC0, v63  }
0xbe: {  	v3 =	vor.u32 v3, v4  }
0xbf: {  	v4 =	vperm.xlane v3, v0;
	_ =	sdelay $0x1  }
0xc0: {  	v4 =	vadd.s32 v1, v4;
	_ =	sdelay $0x3  }
0xc1: {  	s10 =	simm.s32 $0xC200  }
0xc2: {  	[tilespmem:s10], [sflag:$0x2] =	stream.indirect_vreg.gather [hbm4b:s3+s2], $0x80, v4, vm0, $0xb8;
	[tilespmem:$0x10200] =	vst v63  }
0xc3: {  	s23 =	simm.s32 $0xCA00;
	v3 =	vperm.xlane v3, v2  }
0xc4: {  	[tilespmem:s23], [sflag:$0x2] =	stream.indirect_vreg.gather [hbm4b:s5+s2], $0x80, v4, vm0, $0xb8;
	[tilespmem:$0x10200] =	vst v63  }
0xc5: {  	v3 =	vadd.s32 v1, v3;
	s10 =	simm.s32 $0xD200  }
0xc6: {  	[tilespmem:s10], [sflag:$0x2] =	stream.indirect_vreg.gather [hbm4b:s6+s2], $0x80, v4, vm0, $0xb8;
	[tilespmem:$0x10200] =	vst v63  }
0xc7: {  	s23 =	simm.s32 $0xDA00  }
0xc8: {  	[tilespmem:s23], [sflag:$0x2] =	stream.indirect_vreg.gather [hbm4b:s7+s2], $0x80, v4, vm0, $0xb8;
	[tilespmem:$0x10200] =	vst v63  }
0xc9: {  	s10 =	simm.s32 $0xE200  }
0xca: {  	[tilespmem:s10], [sflag:$0x2] =	stream.indirect_vreg.gather [hbm4b:s3+s2], $0x80, v3, vm0, $0xb8;
	[tilespmem:$0x10200] =	vst v63  }
0xcb: {  	s23 =	simm.s32 $0xEA00  }
0xcc: {  	[tilespmem:s23], [sflag:$0x2] =	stream.indirect_vreg.gather [hbm4b:s5+s2], $0x80, v3, vm0, $0xb8;
	[tilespmem:$0x10200] =	vst v63  }
0xcd: {  	s10 =	simm.s32 $0xF200  }
0xce: {  	[tilespmem:s10], [sflag:$0x2] =	stream.indirect_vreg.gather [hbm4b:s6+s2], $0x80, v3, vm0, $0xb8;
	[tilespmem:$0x10200] =	vst v63  }
0xcf: {  	s23 =	simm.s32 $0xFA00  }
0xd0: {  	[tilespmem:s23], [sflag:$0x2] =	stream.indirect_vreg.gather [hbm4b:s7+s2], $0x80, v3, vm0, $0xb8;
	[tilespmem:$0x10200] =	vst v63  }
0xd1: {  	_ =	swait.ge [sflag:s9], $0x8000  }
0xd2: {  	[sflag:s9] =	ssyncset.done $0x0  }
0xd3: {  	s0 =	rddreg [dreg:$0x5];
	[sflag:s9] =	ssyncadd.s32 $0xFFFF8000  }
0xd4: {  	[hbm4b:s0+s2] =	stream.linear.scatter [tilespmem:s26], [sflag:$0x3], $0x8000, $0x38;
	[tilespmem:$0x10200] =	vst v63  }
0xd5: {  	_ =	swait.ge [sflag:s4], $0x8000  }
0xd6: {  	[sflag:s4] =	ssyncset.done $0x0  }
0xd7: {  	s10 =	rddreg [dreg:$0x6];
	[sflag:s4] =	ssyncadd.s32 $0xFFFF8000  }
0xd8: {  	[hbm4b:s10+s2] =	stream.linear.scatter [tilespmem:s20], [sflag:$0x4], $0x8000, $0x38;
	[tilespmem:$0x10200] =	vst v63  }
0xd9: {  	p0 =	sne.s32 s8, $0x1;
	_ =	swait.ge [sflag:s21], $0x8000  }
.Ltmp0:
0xda: {  	[sflag:s21] =	ssyncset.done $0x0;
	(pc) =	sbr.rel @p0 .LBB2_1-.Ltmp0, $4  }
0xdb: {  	[sflag:s21] =	ssyncadd.s32 $0xFFFF8000  }
0xdc: {  	_ =	swait.ge [sflag:s22], $0x8000  }
0xdd: {  	[sflag:s22] =	ssyncset.done $0x0  }
0xde: {  	s8 =	sadd.s32 $0xFFFFFFFF, s8;
	[sflag:s22] =	ssyncadd.s32 $0xFFFF8000  }
0xdf: {  	_ =	sfence.sel $0x180000  }
0xe0: {  	[bflag:$0x0] =	sbarrier.arrive $0xFFFF  }
0xe1: {  	_ =	strace $0x9000004A  }
0xe2: {  	s0 =	stileid.u32;
	[bflag:$0x2] =	sbarrier.arrive $0xFFFF  }
0xe3: {  	p0 =	sne.s32 s0, $0x0;
	s0 =	rddreg [dreg:$0x2]  }
0xe4: {  	s0 =	sadd.s32 @!p0 $0x100000, s0  }
0xe5: {  	[sflag:s0] =	ssyncadd.tile.s32 @!p0 $0x1;
	_ =	shalt  }
.Lfunc_end2:
_tile_overlayer_lowered:
.L_overlay_start_2:
0xe6: {  	(tag) =	ssettag $0x2  }
0xe7: {  	s0 =	rddreg [dreg:$0x0];
	s2 =	stileid.u32  }
0xe8: {  	s1 =	rddreg [dreg:$0x1];
	p0 =	sne.s32 s2, $0x0  }
0xe9: {  	s3 =	rddreg [dreg:$0x2];
	[bflag:$0x3] =	sbarrier.arrive $0xFFFF;
	s2 =	simm.s32 @!p0 $0x1C05  }
0xea: {  	[timem:s3], [sflag:s2] =	dma.local @!p0 [hbm:s0], s1  }
0xeb: {  	s0 =	simm.s32 @!p0 $0x5  }
0xec: {  	_ =	swait.ge @!p0 [sflag:s0], s1  }
0xed: {  	s1 =	ssub.s32 @!p0 $0x0, s1;
	[sflag:s0] =	ssyncset.done @!p0 $0x0  }
0xee: {  	[sflag:s0] =	ssyncadd.s32 @!p0 s1  }
0xef: {  	[bflag:$0x3] =	sbarrier.arrive $0xFFFF  }
0xf0: {  	_ =	shalt  }

</sc_bundles>
